<compile_context>
chip_gen: v7x
topology: tpu7x:2x2x1
jax: 0.10.2.dev20260603
libtpu: 0.0.44.dev20260713+nightly
codegen_flags: <defaults>
</compile_context>

<pallas_src>
import functools

import jax
import jax.numpy as jnp
from jax import lax
from jax.experimental import pallas as pl
from jax.experimental.pallas import tpu as pltpu
from jax.experimental.pallas import tpu_sc as plsc

KP_EXTENT = 1.2
_LANES = 16


def _pick_chunk(per_worker: int, cap: int) -> int:
    for ch in range(cap, 0, -8):
        if per_worker % ch == 0:
            return ch
    raise ValueError(f"no valid chunk for {per_worker}")


@functools.lru_cache(maxsize=None)
def _make_sc_gather(n_edges: int, n_cols: int, tc_tiling: bool, cap: int = 400):
    info = plsc.get_sparse_core_info()
    nw = info.num_cores * info.num_subcores
    assert n_edges % nw == 0
    per_w = n_edges // nw
    ch = _pick_chunk(per_w, cap)
    n_chunks = per_w // ch
    mesh = plsc.VectorSubcoreMesh(core_axis_name="c", subcore_axis_name="s")

    @functools.partial(
        pl.kernel,
        mesh=mesh,
        out_type=jax.ShapeDtypeStruct((n_edges, n_cols), jnp.float32),
        scratch_types=[
            pltpu.VMEM((ch,), jnp.int32),
            pltpu.VMEM((ch,), jnp.int32),
            pltpu.VMEM((ch, n_cols), jnp.float32),
            pltpu.VMEM((ch, n_cols), jnp.float32),
            pltpu.SemaphoreType.DMA,
            pltpu.SemaphoreType.DMA,
        ],
        compiler_params=pltpu.CompilerParams(use_tc_tiling_on_sc=tc_tiling),
    )
    def sc_gather(tbl_hbm, idx_hbm, rows_out,
                  idx0, idx1, buf0, buf1, sem0, sem1):
        wid = lax.axis_index("s") * info.num_cores + lax.axis_index("c")
        base0 = wid * per_w

        pltpu.sync_copy(idx_hbm.at[pl.ds(base0, ch)], idx0)
        pltpu.async_copy(tbl_hbm.at[idx0], buf0, sem0)

        def body(i, carry):
            c0 = 2 * i
            c1 = 2 * i + 1
            c2 = 2 * i + 2

            @pl.when(c1 < n_chunks)
            def _():
                pltpu.sync_copy(idx_hbm.at[pl.ds(base0 + c1 * ch, ch)], idx1)
                pltpu.async_copy(tbl_hbm.at[idx1], buf1, sem1)

            pltpu.make_async_copy(tbl_hbm.at[idx0], buf0, sem0).wait()
            pltpu.sync_copy(buf0, rows_out.at[pl.ds(base0 + c0 * ch, ch)])

            @pl.when(c2 < n_chunks)
            def _():
                pltpu.sync_copy(idx_hbm.at[pl.ds(base0 + c2 * ch, ch)], idx0)
                pltpu.async_copy(tbl_hbm.at[idx0], buf0, sem0)

            @pl.when(c1 < n_chunks)
            def _():
                pltpu.make_async_copy(tbl_hbm.at[idx1], buf1, sem1).wait()
                pltpu.sync_copy(buf1, rows_out.at[pl.ds(base0 + c1 * ch, ch)])

            return carry

        lax.fori_loop(0, (n_chunks + 1) // 2, body, 0, unroll=False)

    return sc_gather


def _tc_body(feats_ref, crd_ref, q_ref, kpt_ref, ones16_ref, w2_ref, out_ref,
             *, b, h, k_pad):
    feats = feats_ref[...]
    c_in = feats.shape[1]
    crd = crd_ref[...].reshape(b, h, _LANES)
    q = q_ref[...]
    kpt = kpt_ref[...]

    p = crd - q[:, None, :]
    pf = p.reshape(b * h, _LANES)
    pdot = jnp.dot(pf, kpt, preferred_element_type=jnp.float32)
    p2 = jnp.dot(pf * pf, ones16_ref[...], preferred_element_type=jnp.float32)
    k2 = jnp.sum(kpt * kpt, axis=0, keepdims=True)
    d2 = jnp.maximum(p2 - 2.0 * pdot + k2, 0.0)
    w = jnp.maximum(1.0 - jnp.sqrt(d2) * (1.0 / KP_EXTENT), 0.0)
    kmask = (lax.broadcasted_iota(jnp.int32, (1, k_pad), 1) < 15).astype(jnp.float32)
    w = w * kmask

    w3 = w.reshape(b, h, k_pad)
    f3 = feats.reshape(b, h, c_in)
    wf = lax.dot_general(w3, f3, (((1,), (1,)), ((0,), (0,))),
                         preferred_element_type=jnp.float32)
    out = jnp.dot(wf.reshape(b, k_pad * c_in), w2_ref[...],
                  preferred_element_type=jnp.float32)

    fsum = jnp.sum(f3, axis=2)
    cnt = jnp.sum((fsum > 0.0).astype(jnp.float32), axis=1, keepdims=True)
    out_ref[...] = out / jnp.maximum(cnt, 1.0)


def kernel(q_pts, s_pts, neighb_inds, x, weights, kernel_points):
    n, h = neighb_inds.shape
    c_in = x.shape[1]
    k = weights.shape[0]
    c_out = weights.shape[2]
    k_pad = _LANES
    n_edges = n * h

    idx = neighb_inds.reshape(-1).astype(jnp.int32)
    s16 = jnp.pad(s_pts, ((0, 0), (0, _LANES - s_pts.shape[1])))
    q16 = jnp.pad(q_pts, ((0, 0), (0, _LANES - q_pts.shape[1])))
    kpt = jnp.pad(kernel_points,
                  ((0, k_pad - k), (0, _LANES - kernel_points.shape[1]))).T
    w2 = jnp.pad(weights, ((0, k_pad - k), (0, 0), (0, 0))).reshape(k_pad * c_in, c_out)
    ones16 = jnp.ones((_LANES, _LANES), jnp.float32)

    n_slab = 2
    ns = n // n_slab
    es = ns * h
    b = 200
    assert ns % b == 0
    grid = ns // b
    outs = []
    for s in range(n_slab):
        idx_s = lax.dynamic_slice_in_dim(idx, s * es, es)
        q_s = lax.dynamic_slice_in_dim(q16, s * ns, ns)
        feats_g = _make_sc_gather(es, c_in, True, 400)(x, idx_s)
        crd_g = _make_sc_gather(es, _LANES, False, 1000)(s16, idx_s)
        crd_v = crd_g.reshape(ns, h * _LANES)
        outs.append(pl.pallas_call(
            functools.partial(_tc_body, b=b, h=h, k_pad=k_pad),
            grid=(grid,),
            in_specs=[
                pl.BlockSpec((b * h, c_in), lambda i: (i, 0)),
                pl.BlockSpec((b, h * _LANES), lambda i: (i, 0)),
                pl.BlockSpec((b, _LANES), lambda i: (i, 0)),
                pl.BlockSpec((_LANES, k_pad), lambda i: (0, 0)),
                pl.BlockSpec((_LANES, _LANES), lambda i: (0, 0)),
                pl.BlockSpec((k_pad * c_in, c_out), lambda i: (0, 0)),
            ],
            out_specs=pl.BlockSpec((b, c_out), lambda i: (i, 0)),
            out_shape=jax.ShapeDtypeStruct((ns, c_out), jnp.float32),
        )(feats_g, crd_v, q_s, kpt, ones16, w2))
    return jnp.concatenate(outs, axis=0)

# --- scband reference (transcript-rebuilt; emitter-appended) ---
"""Pipeline reference for scband-kpconv-42666205119314 (READ-ONLY COPY).

The authoritative reference and input builder live on the scoring server;
editing this copy changes nothing except your own understanding.
"""

import jax, jax.numpy as jnp
import numpy as np

K = 15
P_DIM = 3
IN_C = 128
OUT_C = 128
KP_EXTENT = 1.2
RADIUS = 2.5
N_PTS = 10000
N_NEIGH = 32


def _make_kernel_points():
    # Deterministic stand-in for load_kernels: K points in a sphere of `radius`,
    # with the first point fixed at the center (fixed_kernel_points='center').
    rng = np.random.RandomState(42)
    pts = rng.randn(K, P_DIM)
    pts /= np.maximum(np.linalg.norm(pts, axis=1, keepdims=True), 1e-9)
    scales = rng.rand(K, 1) ** (1.0 / P_DIM)
    pts = pts * scales * RADIUS
    pts[0, :] = 0.0
    return jnp.asarray(pts, dtype=jnp.float32)


def setup_inputs(seed: int = 0) -> dict:
    key = jax.random.key(seed)
    k1, k2, k3, k4, k5 = jax.random.split(key, 5)
    q_pts = jax.random.uniform(k1, (N_PTS, P_DIM), dtype=jnp.float32)
    s_pts = jax.random.uniform(k2, (N_PTS, P_DIM), dtype=jnp.float32)
    neighb_inds = jax.random.randint(k3, (N_PTS, N_NEIGH), 0, N_PTS, dtype=jnp.int64 if jax.config.jax_enable_x64 else jnp.int32)
    x = jax.random.normal(k4, (N_PTS, IN_C), dtype=jnp.float32)
    # kaiming_uniform_(a=sqrt(5)) on [K, in, out]: fan_in = in*out, bound = 1/sqrt(fan_in)
    bound = 1.0 / np.sqrt(IN_C * OUT_C)
    weights = jax.random.uniform(k5, (K, IN_C, OUT_C), minval=-bound, maxval=bound, dtype=jnp.float32)
    kernel_points = _make_kernel_points()
    return {"q_pts": q_pts, "s_pts": s_pts, "neighb_inds": neighb_inds, "x": x,
            "weights": weights, "kernel_points": kernel_points}


def reference(q_pts, s_pts, neighb_inds, x, weights, kernel_points):
    # Add a fake point in the last row (shadow neighbor)
    s_pad = jnp.concatenate([s_pts, jnp.zeros_like(s_pts[:1, :]) + 1000000.0], axis=0)
    # Gather neighbor coordinates: [N, H, 3]
    neighbors = jnp.take(s_pad, neighb_inds, axis=0)
    neighbors = neighbors - q_pts[:, None, :]
    # Differences to each kernel point: [N, H, K, 3]
    differences = neighbors[:, :, None, :] - kernel_points[None, None, :, :]
    sq_distances = jnp.sum(differences ** 2, axis=3)  # [N, H, K]
    # KP_influence == 'linear'
    all_weights = jnp.clip(1.0 - jnp.sqrt(sq_distances) / KP_EXTENT, 0.0, None)
    all_weights = jnp.transpose(all_weights, (0, 2, 1))  # [N, K, H]
    # Add a zero feature row for the shadow point
    x_pad = jnp.concatenate([x, jnp.zeros_like(x[:1, :])], axis=0)
    neighb_x = jnp.take(x_pad, neighb_inds, axis=0)  # [N, H, C_in]
    # aggregation_mode == 'sum'
    weighted_features = jnp.matmul(all_weights, neighb_x)  # [N, K, C_in]
    weighted_features = jnp.transpose(weighted_features, (1, 0, 2))  # [K, N, C_in]
    kernel_outputs = jnp.matmul(weighted_features, weights)  # [K, N, C_out]
    output_features = jnp.sum(kernel_outputs, axis=0)  # [N, C_out]
    # Normalize by the effective number of (non-shadow) neighbors
    neighbor_features_sum = jnp.sum(neighb_x, axis=-1)  # [N, H]
    neighbor_num = jnp.sum((neighbor_features_sum > 0.0).astype(jnp.int32), axis=-1)
    neighbor_num = jnp.maximum(neighbor_num, jnp.ones_like(neighbor_num))
    output_features = output_features / neighbor_num[:, None].astype(output_features.dtype)
    return output_features

if __name__ == "__main__":
    import jax
    _d = setup_inputs()
    print(jax.jit(kernel)(*tuple(_d.values())))

</pallas_src>

<mosaic_0001>
#map = affine_map<(d0, d1) -> (0, 0)>
#map1 = affine_map<(d0, d1) -> (0)>
module attributes {stable_mosaic.version = 14 : i64} {
  func.func @sc_gather(%arg0: i32, %arg1: i32, %arg2: memref<10000x128xf32, #tpu.memory_space<hbm>>, %arg3: memref<160000xi32, #tpu.memory_space<hbm>>, %arg4: memref<160000x128xf32, #tpu.memory_space<hbm>>, %arg5: memref<200xi32, #tpu.memory_space<vmem>>, %arg6: memref<200xi32, #tpu.memory_space<vmem>>, %arg7: memref<200x128xf32, #tpu.memory_space<vmem>>, %arg8: memref<200x128xf32, #tpu.memory_space<vmem>>, %arg9: memref<!tpu.dma_semaphore, #tpu.memory_space<semaphore_mem>>, %arg10: memref<!tpu.dma_semaphore, #tpu.memory_space<semaphore_mem>>) attributes {dimension_semantics = [#tpu.dimension_semantics<core_parallel>, #tpu.dimension_semantics<subcore_parallel>], iteration_bounds = array<i64: 2, 16>, scalar_prefetch = 0 : i64, scratch_operands = 6 : i64, tpu.core_type = #tpu.core_type<sc_vector_subcore>, window_params = [{transform_indices = #map}, {transform_indices = #map1}, {transform_indices = #map}]} {
    %mul3A = arith.constant 2 : i32
    %mul3A_0 = arith.muli %arg1, %mul3A : i32
    %add3A = arith.addi %mul3A_0, %arg0 : i32
    %mul3A_1 = arith.constant 5000 : i32
    %mul3A_2 = arith.muli %add3A, %mul3A_1 : i32
    "tpu.region"() ({
      %run_scoped3A = tpu.sem_alloc : memref<!tpu.dma_semaphore, #tpu.memory_space<semaphore_mem>>
      %dma_start3A_10 = tpu.memref_slice %arg3[%mul3A_2] : memref<160000xi32, #tpu.memory_space<hbm>> -> memref<200xi32, #tpu.memory_space<hbm>>
      %dma_start3A_11 = tpu.memref_slice %arg3[%mul3A_2] : memref<160000xi32, #tpu.memory_space<hbm>> -> memref<200xi32, #tpu.memory_space<hbm>>
      tpu.enqueue_dma source(%dma_start3A_11 : memref<200xi32, #tpu.memory_space<hbm>>) target(%arg5 : memref<200xi32, #tpu.memory_space<vmem>>) target_semaphore(%run_scoped3A : memref<!tpu.dma_semaphore, #tpu.memory_space<semaphore_mem>>)
      %dma_wait3A = tpu.memref_slice %arg3[%mul3A_2] : memref<160000xi32, #tpu.memory_space<hbm>> -> memref<200xi32, #tpu.memory_space<hbm>>
      %dma_wait3A_12 = tpu.memref_slice %arg3[%mul3A_2] : memref<160000xi32, #tpu.memory_space<hbm>> -> memref<200xi32, #tpu.memory_space<hbm>>
      tpu.wait_dma2 semaphore(%run_scoped3A : memref<!tpu.dma_semaphore, #tpu.memory_space<semaphore_mem>>) src(%dma_wait3A_12 : memref<200xi32, #tpu.memory_space<hbm>>) dst(%arg5 : memref<200xi32, #tpu.memory_space<vmem>>)
      tpu.yield
    }) : () -> ()
    %dma_start3A = arith.constant 0 : i32
    %dma_start3A_3 = arith.constant 0 : i32
    %dma_start3A_4 = tpu.memref_slice %arg2[%dma_start3A, %dma_start3A_3] : memref<10000x128xf32, #tpu.memory_space<hbm>> -> memref<10000x128xf32, #tpu.memory_space<hbm>>
    tpu.enqueue_indirect_dma source(%dma_start3A_4 : memref<10000x128xf32, #tpu.memory_space<hbm>>) target(%arg7 : memref<200x128xf32, #tpu.memory_space<vmem>>) offsets(%arg5 : memref<200xi32, #tpu.memory_space<vmem>>) semaphore(%arg9 : memref<!tpu.dma_semaphore, #tpu.memory_space<semaphore_mem>>)
    %scan3A = arith.constant 0 : i32
    %scan3A_5 = arith.constant 0 : i32
    %scan3A_6 = arith.constant 13 : i32
    %scan3A_7 = arith.addi %scan3A_5, %scan3A_6 : i32
    %scan3A_8 = arith.constant 1 : i32
    scf.for %scan3A_10 = %scan3A_5 to %scan3A_7 step %scan3A_8  : i32 {
      %mul3A_11 = arith.constant 2 : i32
      %mul3A_12 = arith.muli %mul3A_11, %scan3A_10 : i32
      %mul3A_13 = arith.constant 2 : i32
      %mul3A_14 = arith.muli %mul3A_13, %scan3A_10 : i32
      %add3A_15 = arith.constant 1 : i32
      %add3A_16 = arith.addi %mul3A_14, %add3A_15 : i32
      %mul3A_17 = arith.constant 2 : i32
      %mul3A_18 = arith.muli %mul3A_17, %scan3A_10 : i32
      %add3A_19 = arith.constant 2 : i32
      %add3A_20 = arith.addi %mul3A_18, %add3A_19 : i32
      %lt3A = arith.constant 25 : i32
      %lt3A_21 = arith.cmpi slt, %add3A_16, %lt3A : i32
      %convert_element_type3A = arith.extui %lt3A_21 : i1 to i32
      %cond3A = arith.constant 0 : i32
      %cond3A_22 = arith.cmpi ne, %convert_element_type3A, %cond3A : i32
      scf.if %cond3A_22 {
        %mul3A_38 = arith.constant 200 : i32
        %mul3A_39 = arith.muli %add3A_16, %mul3A_38 : i32
        %add3A_40 = arith.addi %mul3A_2, %mul3A_39 : i32
        "tpu.region"() ({
          %run_scoped3A = tpu.sem_alloc : memref<!tpu.dma_semaphore, #tpu.memory_space<semaphore_mem>>
          %dma_start3A_44 = tpu.memref_slice %arg3[%add3A_40] : memref<160000xi32, #tpu.memory_space<hbm>> -> memref<200xi32, #tpu.memory_space<hbm>>
          %dma_start3A_45 = tpu.memref_slice %arg3[%add3A_40] : memref<160000xi32, #tpu.memory_space<hbm>> -> memref<200xi32, #tpu.memory_space<hbm>>
          tpu.enqueue_dma source(%dma_start3A_45 : memref<200xi32, #tpu.memory_space<hbm>>) target(%arg6 : memref<200xi32, #tpu.memory_space<vmem>>) target_semaphore(%run_scoped3A : memref<!tpu.dma_semaphore, #tpu.memory_space<semaphore_mem>>)
          %dma_wait3A_46 = tpu.memref_slice %arg3[%add3A_40] : memref<160000xi32, #tpu.memory_space<hbm>> -> memref<200xi32, #tpu.memory_space<hbm>>
          %dma_wait3A_47 = tpu.memref_slice %arg3[%add3A_40] : memref<160000xi32, #tpu.memory_space<hbm>> -> memref<200xi32, #tpu.memory_space<hbm>>
          tpu.wait_dma2 semaphore(%run_scoped3A : memref<!tpu.dma_semaphore, #tpu.memory_space<semaphore_mem>>) src(%dma_wait3A_47 : memref<200xi32, #tpu.memory_space<hbm>>) dst(%arg6 : memref<200xi32, #tpu.memory_space<vmem>>)
          tpu.yield
        }) : () -> ()
        %dma_start3A_41 = arith.constant 0 : i32
        %dma_start3A_42 = arith.constant 0 : i32
        %dma_start3A_43 = tpu.memref_slice %arg2[%dma_start3A_41, %dma_start3A_42] : memref<10000x128xf32, #tpu.memory_space<hbm>> -> memref<10000x128xf32, #tpu.memory_space<hbm>>
        tpu.enqueue_indirect_dma source(%dma_start3A_43 : memref<10000x128xf32, #tpu.memory_space<hbm>>) target(%arg8 : memref<200x128xf32, #tpu.memory_space<vmem>>) offsets(%arg6 : memref<200xi32, #tpu.memory_space<vmem>>) semaphore(%arg10 : memref<!tpu.dma_semaphore, #tpu.memory_space<semaphore_mem>>)
      } else {
      }
      %dma_wait3A = arith.constant 0 : i32
      %dma_wait3A_23 = arith.constant 0 : i32
      %dma_wait3A_24 = tpu.memref_slice %arg2[%dma_wait3A, %dma_wait3A_23] : memref<10000x128xf32, #tpu.memory_space<hbm>> -> memref<10000x128xf32, #tpu.memory_space<hbm>>
      tpu.wait_indirect_dma semaphore(%arg9 : memref<!tpu.dma_semaphore, #tpu.memory_space<semaphore_mem>>) src(%dma_wait3A_24 : memref<10000x128xf32, #tpu.memory_space<hbm>>) dst(%arg7 : memref<200x128xf32, #tpu.memory_space<vmem>>)
      %mul3A_25 = arith.constant 200 : i32
      %mul3A_26 = arith.muli %mul3A_12, %mul3A_25 : i32
      %add3A_27 = arith.addi %mul3A_2, %mul3A_26 : i32
      "tpu.region"() ({
        %run_scoped3A = tpu.sem_alloc : memref<!tpu.dma_semaphore, #tpu.memory_space<semaphore_mem>>
        %dma_start3A_38 = arith.constant 0 : i32
        %dma_start3A_39 = tpu.memref_slice %arg4[%add3A_27, %dma_start3A_38] : memref<160000x128xf32, #tpu.memory_space<hbm>> -> memref<200x128xf32, #tpu.memory_space<hbm>>
        %dma_start3A_40 = arith.constant 0 : i32
        %dma_start3A_41 = tpu.memref_slice %arg4[%add3A_27, %dma_start3A_40] : memref<160000x128xf32, #tpu.memory_space<hbm>> -> memref<200x128xf32, #tpu.memory_space<hbm>>
        tpu.enqueue_dma source(%arg7 : memref<200x128xf32, #tpu.memory_space<vmem>>) target(%dma_start3A_41 : memref<200x128xf32, #tpu.memory_space<hbm>>) target_semaphore(%run_scoped3A : memref<!tpu.dma_semaphore, #tpu.memory_space<semaphore_mem>>)
        %dma_wait3A_42 = arith.constant 0 : i32
        %dma_wait3A_43 = tpu.memref_slice %arg4[%add3A_27, %dma_wait3A_42] : memref<160000x128xf32, #tpu.memory_space<hbm>> -> memref<200x128xf32, #tpu.memory_space<hbm>>
        %dma_wait3A_44 = arith.constant 0 : i32
        %dma_wait3A_45 = tpu.memref_slice %arg4[%add3A_27, %dma_wait3A_44] : memref<160000x128xf32, #tpu.memory_space<hbm>> -> memref<200x128xf32, #tpu.memory_space<hbm>>
        tpu.wait_dma2 semaphore(%run_scoped3A : memref<!tpu.dma_semaphore, #tpu.memory_space<semaphore_mem>>) src(%arg7 : memref<200x128xf32, #tpu.memory_space<vmem>>) dst(%dma_wait3A_45 : memref<200x128xf32, #tpu.memory_space<hbm>>)
        tpu.yield
      }) : () -> ()
      %lt3A_28 = arith.constant 25 : i32
      %lt3A_29 = arith.cmpi slt, %add3A_20, %lt3A_28 : i32
      %convert_element_type3A_30 = arith.extui %lt3A_29 : i1 to i32
      %cond3A_31 = arith.constant 0 : i32
      %cond3A_32 = arith.cmpi ne, %convert_element_type3A_30, %cond3A_31 : i32
      scf.if %cond3A_32 {
        %mul3A_38 = arith.constant 200 : i32
        %mul3A_39 = arith.muli %add3A_20, %mul3A_38 : i32
        %add3A_40 = arith.addi %mul3A_2, %mul3A_39 : i32
        "tpu.region"() ({
          %run_scoped3A = tpu.sem_alloc : memref<!tpu.dma_semaphore, #tpu.memory_space<semaphore_mem>>
          %dma_start3A_44 = tpu.memref_slice %arg3[%add3A_40] : memref<160000xi32, #tpu.memory_space<hbm>> -> memref<200xi32, #tpu.memory_space<hbm>>
          %dma_start3A_45 = tpu.memref_slice %arg3[%add3A_40] : memref<160000xi32, #tpu.memory_space<hbm>> -> memref<200xi32, #tpu.memory_space<hbm>>
          tpu.enqueue_dma source(%dma_start3A_45 : memref<200xi32, #tpu.memory_space<hbm>>) target(%arg5 : memref<200xi32, #tpu.memory_space<vmem>>) target_semaphore(%run_scoped3A : memref<!tpu.dma_semaphore, #tpu.memory_space<semaphore_mem>>)
          %dma_wait3A_46 = tpu.memref_slice %arg3[%add3A_40] : memref<160000xi32, #tpu.memory_space<hbm>> -> memref<200xi32, #tpu.memory_space<hbm>>
          %dma_wait3A_47 = tpu.memref_slice %arg3[%add3A_40] : memref<160000xi32, #tpu.memory_space<hbm>> -> memref<200xi32, #tpu.memory_space<hbm>>
          tpu.wait_dma2 semaphore(%run_scoped3A : memref<!tpu.dma_semaphore, #tpu.memory_space<semaphore_mem>>) src(%dma_wait3A_47 : memref<200xi32, #tpu.memory_space<hbm>>) dst(%arg5 : memref<200xi32, #tpu.memory_space<vmem>>)
          tpu.yield
        }) : () -> ()
        %dma_start3A_41 = arith.constant 0 : i32
        %dma_start3A_42 = arith.constant 0 : i32
        %dma_start3A_43 = tpu.memref_slice %arg2[%dma_start3A_41, %dma_start3A_42] : memref<10000x128xf32, #tpu.memory_space<hbm>> -> memref<10000x128xf32, #tpu.memory_space<hbm>>
        tpu.enqueue_indirect_dma source(%dma_start3A_43 : memref<10000x128xf32, #tpu.memory_space<hbm>>) target(%arg7 : memref<200x128xf32, #tpu.memory_space<vmem>>) offsets(%arg5 : memref<200xi32, #tpu.memory_space<vmem>>) semaphore(%arg9 : memref<!tpu.dma_semaphore, #tpu.memory_space<semaphore_mem>>)
      } else {
      }
      %lt3A_33 = arith.constant 25 : i32
      %lt3A_34 = arith.cmpi slt, %add3A_16, %lt3A_33 : i32
      %convert_element_type3A_35 = arith.extui %lt3A_34 : i1 to i32
      %cond3A_36 = arith.constant 0 : i32
      %cond3A_37 = arith.cmpi ne, %convert_element_type3A_35, %cond3A_36 : i32
      scf.if %cond3A_37 {
        %dma_wait3A_38 = arith.constant 0 : i32
        %dma_wait3A_39 = arith.constant 0 : i32
        %dma_wait3A_40 = tpu.memref_slice %arg2[%dma_wait3A_38, %dma_wait3A_39] : memref<10000x128xf32, #tpu.memory_space<hbm>> -> memref<10000x128xf32, #tpu.memory_space<hbm>>
        tpu.wait_indirect_dma semaphore(%arg10 : memref<!tpu.dma_semaphore, #tpu.memory_space<semaphore_mem>>) src(%dma_wait3A_40 : memref<10000x128xf32, #tpu.memory_space<hbm>>) dst(%arg8 : memref<200x128xf32, #tpu.memory_space<vmem>>)
        %mul3A_41 = arith.constant 200 : i32
        %mul3A_42 = arith.muli %add3A_16, %mul3A_41 : i32
        %add3A_43 = arith.addi %mul3A_2, %mul3A_42 : i32
        "tpu.region"() ({
          %run_scoped3A = tpu.sem_alloc : memref<!tpu.dma_semaphore, #tpu.memory_space<semaphore_mem>>
          %dma_start3A_44 = arith.constant 0 : i32
          %dma_start3A_45 = tpu.memref_slice %arg4[%add3A_43, %dma_start3A_44] : memref<160000x128xf32, #tpu.memory_space<hbm>> -> memref<200x128xf32, #tpu.memory_space<hbm>>
          %dma_start3A_46 = arith.constant 0 : i32
          %dma_start3A_47 = tpu.memref_slice %arg4[%add3A_43, %dma_start3A_46] : memref<160000x128xf32, #tpu.memory_space<hbm>> -> memref<200x128xf32, #tpu.memory_space<hbm>>
          tpu.enqueue_dma source(%arg8 : memref<200x128xf32, #tpu.memory_space<vmem>>) target(%dma_start3A_47 : memref<200x128xf32, #tpu.memory_space<hbm>>) target_semaphore(%run_scoped3A : memref<!tpu.dma_semaphore, #tpu.memory_space<semaphore_mem>>)
          %dma_wait3A_48 = arith.constant 0 : i32
          %dma_wait3A_49 = tpu.memref_slice %arg4[%add3A_43, %dma_wait3A_48] : memref<160000x128xf32, #tpu.memory_space<hbm>> -> memref<200x128xf32, #tpu.memory_space<hbm>>
          %dma_wait3A_50 = arith.constant 0 : i32
          %dma_wait3A_51 = tpu.memref_slice %arg4[%add3A_43, %dma_wait3A_50] : memref<160000x128xf32, #tpu.memory_space<hbm>> -> memref<200x128xf32, #tpu.memory_space<hbm>>
          tpu.wait_dma2 semaphore(%run_scoped3A : memref<!tpu.dma_semaphore, #tpu.memory_space<semaphore_mem>>) src(%arg8 : memref<200x128xf32, #tpu.memory_space<vmem>>) dst(%dma_wait3A_51 : memref<200x128xf32, #tpu.memory_space<hbm>>)
          tpu.yield
        }) : () -> ()
      } else {
      }
    }
    %scan3A_9 = arith.constant 13 : i32
    return
  }
}

#map = affine_map<(d0, d1) -> (0, 0)>
#map1 = affine_map<(d0, d1) -> (0)>
module attributes {stable_mosaic.version = 14 : i64} {
  func.func @sc_gather(%arg0: i32, %arg1: i32, %arg2: memref<10000x16xf32, #tpu.memory_space<hbm>>, %arg3: memref<160000xi32, #tpu.memory_space<hbm>>, %arg4: memref<160000x16xf32, #tpu.memory_space<hbm>>, %arg5: memref<1000xi32, #tpu.memory_space<vmem>>, %arg6: memref<1000xi32, #tpu.memory_space<vmem>>, %arg7: memref<1000x16xf32, #tpu.memory_space<vmem>>, %arg8: memref<1000x16xf32, #tpu.memory_space<vmem>>, %arg9: memref<!tpu.dma_semaphore, #tpu.memory_space<semaphore_mem>>, %arg10: memref<!tpu.dma_semaphore, #tpu.memory_space<semaphore_mem>>) attributes {dimension_semantics = [#tpu.dimension_semantics<core_parallel>, #tpu.dimension_semantics<subcore_parallel>], iteration_bounds = array<i64: 2, 16>, scalar_prefetch = 0 : i64, scratch_operands = 6 : i64, tpu.core_type = #tpu.core_type<sc_vector_subcore>, window_params = [{transform_indices = #map}, {transform_indices = #map1}, {transform_indices = #map}]} {
    %mul3A = arith.constant 2 : i32
    %mul3A_0 = arith.muli %arg1, %mul3A : i32
    %add3A = arith.addi %mul3A_0, %arg0 : i32
    %mul3A_1 = arith.constant 5000 : i32
    %mul3A_2 = arith.muli %add3A, %mul3A_1 : i32
    "tpu.region"() ({
      %run_scoped3A = tpu.sem_alloc : memref<!tpu.dma_semaphore, #tpu.memory_space<semaphore_mem>>
      %dma_start3A_10 = tpu.memref_slice %arg3[%mul3A_2] : memref<160000xi32, #tpu.memory_space<hbm>> -> memref<1000xi32, #tpu.memory_space<hbm>>
      %dma_start3A_11 = tpu.memref_slice %arg3[%mul3A_2] : memref<160000xi32, #tpu.memory_space<hbm>> -> memref<1000xi32, #tpu.memory_space<hbm>>
      tpu.enqueue_dma source(%dma_start3A_11 : memref<1000xi32, #tpu.memory_space<hbm>>) target(%arg5 : memref<1000xi32, #tpu.memory_space<vmem>>) target_semaphore(%run_scoped3A : memref<!tpu.dma_semaphore, #tpu.memory_space<semaphore_mem>>)
      %dma_wait3A = tpu.memref_slice %arg3[%mul3A_2] : memref<160000xi32, #tpu.memory_space<hbm>> -> memref<1000xi32, #tpu.memory_space<hbm>>
      %dma_wait3A_12 = tpu.memref_slice %arg3[%mul3A_2] : memref<160000xi32, #tpu.memory_space<hbm>> -> memref<1000xi32, #tpu.memory_space<hbm>>
      tpu.wait_dma2 semaphore(%run_scoped3A : memref<!tpu.dma_semaphore, #tpu.memory_space<semaphore_mem>>) src(%dma_wait3A_12 : memref<1000xi32, #tpu.memory_space<hbm>>) dst(%arg5 : memref<1000xi32, #tpu.memory_space<vmem>>)
      tpu.yield
    }) : () -> ()
    %dma_start3A = arith.constant 0 : i32
    %dma_start3A_3 = arith.constant 0 : i32
    %dma_start3A_4 = tpu.memref_slice %arg2[%dma_start3A, %dma_start3A_3] : memref<10000x16xf32, #tpu.memory_space<hbm>> -> memref<10000x16xf32, #tpu.memory_space<hbm>>
    tpu.enqueue_indirect_dma source(%dma_start3A_4 : memref<10000x16xf32, #tpu.memory_space<hbm>>) target(%arg7 : memref<1000x16xf32, #tpu.memory_space<vmem>>) offsets(%arg5 : memref<1000xi32, #tpu.memory_space<vmem>>) semaphore(%arg9 : memref<!tpu.dma_semaphore, #tpu.memory_space<semaphore_mem>>)
    %scan3A = arith.constant 0 : i32
    %scan3A_5 = arith.constant 0 : i32
    %scan3A_6 = arith.constant 3 : i32
    %scan3A_7 = arith.addi %scan3A_5, %scan3A_6 : i32
    %scan3A_8 = arith.constant 1 : i32
    scf.for %scan3A_10 = %scan3A_5 to %scan3A_7 step %scan3A_8  : i32 {
      %mul3A_11 = arith.constant 2 : i32
      %mul3A_12 = arith.muli %mul3A_11, %scan3A_10 : i32
      %mul3A_13 = arith.constant 2 : i32
      %mul3A_14 = arith.muli %mul3A_13, %scan3A_10 : i32
      %add3A_15 = arith.constant 1 : i32
      %add3A_16 = arith.addi %mul3A_14, %add3A_15 : i32
      %mul3A_17 = arith.constant 2 : i32
      %mul3A_18 = arith.muli %mul3A_17, %scan3A_10 : i32
      %add3A_19 = arith.constant 2 : i32
      %add3A_20 = arith.addi %mul3A_18, %add3A_19 : i32
      %lt3A = arith.constant 5 : i32
      %lt3A_21 = arith.cmpi slt, %add3A_16, %lt3A : i32
      %convert_element_type3A = arith.extui %lt3A_21 : i1 to i32
      %cond3A = arith.constant 0 : i32
      %cond3A_22 = arith.cmpi ne, %convert_element_type3A, %cond3A : i32
      scf.if %cond3A_22 {
        %mul3A_38 = arith.constant 1000 : i32
        %mul3A_39 = arith.muli %add3A_16, %mul3A_38 : i32
        %add3A_40 = arith.addi %mul3A_2, %mul3A_39 : i32
        "tpu.region"() ({
          %run_scoped3A = tpu.sem_alloc : memref<!tpu.dma_semaphore, #tpu.memory_space<semaphore_mem>>
          %dma_start3A_44 = tpu.memref_slice %arg3[%add3A_40] : memref<160000xi32, #tpu.memory_space<hbm>> -> memref<1000xi32, #tpu.memory_space<hbm>>
          %dma_start3A_45 = tpu.memref_slice %arg3[%add3A_40] : memref<160000xi32, #tpu.memory_space<hbm>> -> memref<1000xi32, #tpu.memory_space<hbm>>
          tpu.enqueue_dma source(%dma_start3A_45 : memref<1000xi32, #tpu.memory_space<hbm>>) target(%arg6 : memref<1000xi32, #tpu.memory_space<vmem>>) target_semaphore(%run_scoped3A : memref<!tpu.dma_semaphore, #tpu.memory_space<semaphore_mem>>)
          %dma_wait3A_46 = tpu.memref_slice %arg3[%add3A_40] : memref<160000xi32, #tpu.memory_space<hbm>> -> memref<1000xi32, #tpu.memory_space<hbm>>
          %dma_wait3A_47 = tpu.memref_slice %arg3[%add3A_40] : memref<160000xi32, #tpu.memory_space<hbm>> -> memref<1000xi32, #tpu.memory_space<hbm>>
          tpu.wait_dma2 semaphore(%run_scoped3A : memref<!tpu.dma_semaphore, #tpu.memory_space<semaphore_mem>>) src(%dma_wait3A_47 : memref<1000xi32, #tpu.memory_space<hbm>>) dst(%arg6 : memref<1000xi32, #tpu.memory_space<vmem>>)
          tpu.yield
        }) : () -> ()
        %dma_start3A_41 = arith.constant 0 : i32
        %dma_start3A_42 = arith.constant 0 : i32
        %dma_start3A_43 = tpu.memref_slice %arg2[%dma_start3A_41, %dma_start3A_42] : memref<10000x16xf32, #tpu.memory_space<hbm>> -> memref<10000x16xf32, #tpu.memory_space<hbm>>
        tpu.enqueue_indirect_dma source(%dma_start3A_43 : memref<10000x16xf32, #tpu.memory_space<hbm>>) target(%arg8 : memref<1000x16xf32, #tpu.memory_space<vmem>>) offsets(%arg6 : memref<1000xi32, #tpu.memory_space<vmem>>) semaphore(%arg10 : memref<!tpu.dma_semaphore, #tpu.memory_space<semaphore_mem>>)
      } else {
      }
      %dma_wait3A = arith.constant 0 : i32
      %dma_wait3A_23 = arith.constant 0 : i32
      %dma_wait3A_24 = tpu.memref_slice %arg2[%dma_wait3A, %dma_wait3A_23] : memref<10000x16xf32, #tpu.memory_space<hbm>> -> memref<10000x16xf32, #tpu.memory_space<hbm>>
      tpu.wait_indirect_dma semaphore(%arg9 : memref<!tpu.dma_semaphore, #tpu.memory_space<semaphore_mem>>) src(%dma_wait3A_24 : memref<10000x16xf32, #tpu.memory_space<hbm>>) dst(%arg7 : memref<1000x16xf32, #tpu.memory_space<vmem>>)
      %mul3A_25 = arith.constant 1000 : i32
      %mul3A_26 = arith.muli %mul3A_12, %mul3A_25 : i32
      %add3A_27 = arith.addi %mul3A_2, %mul3A_26 : i32
      "tpu.region"() ({
        %run_scoped3A = tpu.sem_alloc : memref<!tpu.dma_semaphore, #tpu.memory_space<semaphore_mem>>
        %dma_start3A_38 = arith.constant 0 : i32
        %dma_start3A_39 = tpu.memref_slice %arg4[%add3A_27, %dma_start3A_38] : memref<160000x16xf32, #tpu.memory_space<hbm>> -> memref<1000x16xf32, #tpu.memory_space<hbm>>
        %dma_start3A_40 = arith.constant 0 : i32
        %dma_start3A_41 = tpu.memref_slice %arg4[%add3A_27, %dma_start3A_40] : memref<160000x16xf32, #tpu.memory_space<hbm>> -> memref<1000x16xf32, #tpu.memory_space<hbm>>
        tpu.enqueue_dma source(%arg7 : memref<1000x16xf32, #tpu.memory_space<vmem>>) target(%dma_start3A_41 : memref<1000x16xf32, #tpu.memory_space<hbm>>) target_semaphore(%run_scoped3A : memref<!tpu.dma_semaphore, #tpu.memory_space<semaphore_mem>>)
        %dma_wait3A_42 = arith.constant 0 : i32
        %dma_wait3A_43 = tpu.memref_slice %arg4[%add3A_27, %dma_wait3A_42] : memref<160000x16xf32, #tpu.memory_space<hbm>> -> memref<1000x16xf32, #tpu.memory_space<hbm>>
        %dma_wait3A_44 = arith.constant 0 : i32
        %dma_wait3A_45 = tpu.memref_slice %arg4[%add3A_27, %dma_wait3A_44] : memref<160000x16xf32, #tpu.memory_space<hbm>> -> memref<1000x16xf32, #tpu.memory_space<hbm>>
        tpu.wait_dma2 semaphore(%run_scoped3A : memref<!tpu.dma_semaphore, #tpu.memory_space<semaphore_mem>>) src(%arg7 : memref<1000x16xf32, #tpu.memory_space<vmem>>) dst(%dma_wait3A_45 : memref<1000x16xf32, #tpu.memory_space<hbm>>)
        tpu.yield
      }) : () -> ()
      %lt3A_28 = arith.constant 5 : i32
      %lt3A_29 = arith.cmpi slt, %add3A_20, %lt3A_28 : i32
      %convert_element_type3A_30 = arith.extui %lt3A_29 : i1 to i32
      %cond3A_31 = arith.constant 0 : i32
      %cond3A_32 = arith.cmpi ne, %convert_element_type3A_30, %cond3A_31 : i32
      scf.if %cond3A_32 {
        %mul3A_38 = arith.constant 1000 : i32
        %mul3A_39 = arith.muli %add3A_20, %mul3A_38 : i32
        %add3A_40 = arith.addi %mul3A_2, %mul3A_39 : i32
        "tpu.region"() ({
          %run_scoped3A = tpu.sem_alloc : memref<!tpu.dma_semaphore, #tpu.memory_space<semaphore_mem>>
          %dma_start3A_44 = tpu.memref_slice %arg3[%add3A_40] : memref<160000xi32, #tpu.memory_space<hbm>> -> memref<1000xi32, #tpu.memory_space<hbm>>
          %dma_start3A_45 = tpu.memref_slice %arg3[%add3A_40] : memref<160000xi32, #tpu.memory_space<hbm>> -> memref<1000xi32, #tpu.memory_space<hbm>>
          tpu.enqueue_dma source(%dma_start3A_45 : memref<1000xi32, #tpu.memory_space<hbm>>) target(%arg5 : memref<1000xi32, #tpu.memory_space<vmem>>) target_semaphore(%run_scoped3A : memref<!tpu.dma_semaphore, #tpu.memory_space<semaphore_mem>>)
          %dma_wait3A_46 = tpu.memref_slice %arg3[%add3A_40] : memref<160000xi32, #tpu.memory_space<hbm>> -> memref<1000xi32, #tpu.memory_space<hbm>>
          %dma_wait3A_47 = tpu.memref_slice %arg3[%add3A_40] : memref<160000xi32, #tpu.memory_space<hbm>> -> memref<1000xi32, #tpu.memory_space<hbm>>
          tpu.wait_dma2 semaphore(%run_scoped3A : memref<!tpu.dma_semaphore, #tpu.memory_space<semaphore_mem>>) src(%dma_wait3A_47 : memref<1000xi32, #tpu.memory_space<hbm>>) dst(%arg5 : memref<1000xi32, #tpu.memory_space<vmem>>)
          tpu.yield
        }) : () -> ()
        %dma_start3A_41 = arith.constant 0 : i32
        %dma_start3A_42 = arith.constant 0 : i32
        %dma_start3A_43 = tpu.memref_slice %arg2[%dma_start3A_41, %dma_start3A_42] : memref<10000x16xf32, #tpu.memory_space<hbm>> -> memref<10000x16xf32, #tpu.memory_space<hbm>>
        tpu.enqueue_indirect_dma source(%dma_start3A_43 : memref<10000x16xf32, #tpu.memory_space<hbm>>) target(%arg7 : memref<1000x16xf32, #tpu.memory_space<vmem>>) offsets(%arg5 : memref<1000xi32, #tpu.memory_space<vmem>>) semaphore(%arg9 : memref<!tpu.dma_semaphore, #tpu.memory_space<semaphore_mem>>)
      } else {
      }
      %lt3A_33 = arith.constant 5 : i32
      %lt3A_34 = arith.cmpi slt, %add3A_16, %lt3A_33 : i32
      %convert_element_type3A_35 = arith.extui %lt3A_34 : i1 to i32
      %cond3A_36 = arith.constant 0 : i32
      %cond3A_37 = arith.cmpi ne, %convert_element_type3A_35, %cond3A_36 : i32
      scf.if %cond3A_37 {
        %dma_wait3A_38 = arith.constant 0 : i32
        %dma_wait3A_39 = arith.constant 0 : i32
        %dma_wait3A_40 = tpu.memref_slice %arg2[%dma_wait3A_38, %dma_wait3A_39] : memref<10000x16xf32, #tpu.memory_space<hbm>> -> memref<10000x16xf32, #tpu.memory_space<hbm>>
        tpu.wait_indirect_dma semaphore(%arg10 : memref<!tpu.dma_semaphore, #tpu.memory_space<semaphore_mem>>) src(%dma_wait3A_40 : memref<10000x16xf32, #tpu.memory_space<hbm>>) dst(%arg8 : memref<1000x16xf32, #tpu.memory_space<vmem>>)
        %mul3A_41 = arith.constant 1000 : i32
        %mul3A_42 = arith.muli %add3A_16, %mul3A_41 : i32
        %add3A_43 = arith.addi %mul3A_2, %mul3A_42 : i32
        "tpu.region"() ({
          %run_scoped3A = tpu.sem_alloc : memref<!tpu.dma_semaphore, #tpu.memory_space<semaphore_mem>>
          %dma_start3A_44 = arith.constant 0 : i32
          %dma_start3A_45 = tpu.memref_slice %arg4[%add3A_43, %dma_start3A_44] : memref<160000x16xf32, #tpu.memory_space<hbm>> -> memref<1000x16xf32, #tpu.memory_space<hbm>>
          %dma_start3A_46 = arith.constant 0 : i32
          %dma_start3A_47 = tpu.memref_slice %arg4[%add3A_43, %dma_start3A_46] : memref<160000x16xf32, #tpu.memory_space<hbm>> -> memref<1000x16xf32, #tpu.memory_space<hbm>>
          tpu.enqueue_dma source(%arg8 : memref<1000x16xf32, #tpu.memory_space<vmem>>) target(%dma_start3A_47 : memref<1000x16xf32, #tpu.memory_space<hbm>>) target_semaphore(%run_scoped3A : memref<!tpu.dma_semaphore, #tpu.memory_space<semaphore_mem>>)
          %dma_wait3A_48 = arith.constant 0 : i32
          %dma_wait3A_49 = tpu.memref_slice %arg4[%add3A_43, %dma_wait3A_48] : memref<160000x16xf32, #tpu.memory_space<hbm>> -> memref<1000x16xf32, #tpu.memory_space<hbm>>
          %dma_wait3A_50 = arith.constant 0 : i32
          %dma_wait3A_51 = tpu.memref_slice %arg4[%add3A_43, %dma_wait3A_50] : memref<160000x16xf32, #tpu.memory_space<hbm>> -> memref<1000x16xf32, #tpu.memory_space<hbm>>
          tpu.wait_dma2 semaphore(%run_scoped3A : memref<!tpu.dma_semaphore, #tpu.memory_space<semaphore_mem>>) src(%arg8 : memref<1000x16xf32, #tpu.memory_space<vmem>>) dst(%dma_wait3A_51 : memref<1000x16xf32, #tpu.memory_space<hbm>>)
          tpu.yield
        }) : () -> ()
      } else {
      }
    }
    %scan3A_9 = arith.constant 3 : i32
    return
  }
}

#map = affine_map<(d0, d1) -> (0, 0)>
#map1 = affine_map<(d0, d1) -> (0)>
module attributes {stable_mosaic.version = 14 : i64} {
  func.func @sc_gather(%arg0: i32, %arg1: i32, %arg2: memref<10000x16xf32, #tpu.memory_space<hbm>>, %arg3: memref<160000xi32, #tpu.memory_space<hbm>>, %arg4: memref<160000x16xf32, #tpu.memory_space<hbm>>, %arg5: memref<1000xi32, #tpu.memory_space<vmem>>, %arg6: memref<1000xi32, #tpu.memory_space<vmem>>, %arg7: memref<1000x16xf32, #tpu.memory_space<vmem>>, %arg8: memref<1000x16xf32, #tpu.memory_space<vmem>>, %arg9: memref<!tpu.dma_semaphore, #tpu.memory_space<semaphore_mem>>, %arg10: memref<!tpu.dma_semaphore, #tpu.memory_space<semaphore_mem>>) attributes {dimension_semantics = [#tpu.dimension_semantics<core_parallel>, #tpu.dimension_semantics<subcore_parallel>], iteration_bounds = array<i64: 2, 16>, scalar_prefetch = 0 : i64, scratch_operands = 6 : i64, tpu.core_type = #tpu.core_type<sc_vector_subcore>, window_params = [{transform_indices = #map}, {transform_indices = #map1}, {transform_indices = #map}]} {
    %mul3A = arith.constant 2 : i32
    %mul3A_0 = arith.muli %arg1, %mul3A : i32
    %add3A = arith.addi %mul3A_0, %arg0 : i32
    %mul3A_1 = arith.constant 5000 : i32
    %mul3A_2 = arith.muli %add3A, %mul3A_1 : i32
    "tpu.region"() ({
      %run_scoped3A = tpu.sem_alloc : memref<!tpu.dma_semaphore, #tpu.memory_space<semaphore_mem>>
      %dma_start3A_10 = tpu.memref_slice %arg3[%mul3A_2] : memref<160000xi32, #tpu.memory_space<hbm>> -> memref<1000xi32, #tpu.memory_space<hbm>>
      %dma_start3A_11 = tpu.memref_slice %arg3[%mul3A_2] : memref<160000xi32, #tpu.memory_space<hbm>> -> memref<1000xi32, #tpu.memory_space<hbm>>
      tpu.enqueue_dma source(%dma_start3A_11 : memref<1000xi32, #tpu.memory_space<hbm>>) target(%arg5 : memref<1000xi32, #tpu.memory_space<vmem>>) target_semaphore(%run_scoped3A : memref<!tpu.dma_semaphore, #tpu.memory_space<semaphore_mem>>)
      %dma_wait3A = tpu.memref_slice %arg3[%mul3A_2] : memref<160000xi32, #tpu.memory_space<hbm>> -> memref<1000xi32, #tpu.memory_space<hbm>>
      %dma_wait3A_12 = tpu.memref_slice %arg3[%mul3A_2] : memref<160000xi32, #tpu.memory_space<hbm>> -> memref<1000xi32, #tpu.memory_space<hbm>>
      tpu.wait_dma2 semaphore(%run_scoped3A : memref<!tpu.dma_semaphore, #tpu.memory_space<semaphore_mem>>) src(%dma_wait3A_12 : memref<1000xi32, #tpu.memory_space<hbm>>) dst(%arg5 : memref<1000xi32, #tpu.memory_space<vmem>>)
      tpu.yield
    }) : () -> ()
    %dma_start3A = arith.constant 0 : i32
    %dma_start3A_3 = arith.constant 0 : i32
    %dma_start3A_4 = tpu.memref_slice %arg2[%dma_start3A, %dma_start3A_3] : memref<10000x16xf32, #tpu.memory_space<hbm>> -> memref<10000x16xf32, #tpu.memory_space<hbm>>
    tpu.enqueue_indirect_dma source(%dma_start3A_4 : memref<10000x16xf32, #tpu.memory_space<hbm>>) target(%arg7 : memref<1000x16xf32, #tpu.memory_space<vmem>>) offsets(%arg5 : memref<1000xi32, #tpu.memory_space<vmem>>) semaphore(%arg9 : memref<!tpu.dma_semaphore, #tpu.memory_space<semaphore_mem>>)
    %scan3A = arith.constant 0 : i32
    %scan3A_5 = arith.constant 0 : i32
    %scan3A_6 = arith.constant 3 : i32
    %scan3A_7 = arith.addi %scan3A_5, %scan3A_6 : i32
    %scan3A_8 = arith.constant 1 : i32
    scf.for %scan3A_10 = %scan3A_5 to %scan3A_7 step %scan3A_8  : i32 {
      %mul3A_11 = arith.constant 2 : i32
      %mul3A_12 = arith.muli %mul3A_11, %scan3A_10 : i32
      %mul3A_13 = arith.constant 2 : i32
      %mul3A_14 = arith.muli %mul3A_13, %scan3A_10 : i32
      %add3A_15 = arith.constant 1 : i32
      %add3A_16 = arith.addi %mul3A_14, %add3A_15 : i32
      %mul3A_17 = arith.constant 2 : i32
      %mul3A_18 = arith.muli %mul3A_17, %scan3A_10 : i32
      %add3A_19 = arith.constant 2 : i32
      %add3A_20 = arith.addi %mul3A_18, %add3A_19 : i32
      %lt3A = arith.constant 5 : i32
      %lt3A_21 = arith.cmpi slt, %add3A_16, %lt3A : i32
      %convert_element_type3A = arith.extui %lt3A_21 : i1 to i32
      %cond3A = arith.constant 0 : i32
      %cond3A_22 = arith.cmpi ne, %convert_element_type3A, %cond3A : i32
      scf.if %cond3A_22 {
        %mul3A_38 = arith.constant 1000 : i32
        %mul3A_39 = arith.muli %add3A_16, %mul3A_38 : i32
        %add3A_40 = arith.addi %mul3A_2, %mul3A_39 : i32
        "tpu.region"() ({
          %run_scoped3A = tpu.sem_alloc : memref<!tpu.dma_semaphore, #tpu.memory_space<semaphore_mem>>
          %dma_start3A_44 = tpu.memref_slice %arg3[%add3A_40] : memref<160000xi32, #tpu.memory_space<hbm>> -> memref<1000xi32, #tpu.memory_space<hbm>>
          %dma_start3A_45 = tpu.memref_slice %arg3[%add3A_40] : memref<160000xi32, #tpu.memory_space<hbm>> -> memref<1000xi32, #tpu.memory_space<hbm>>
          tpu.enqueue_dma source(%dma_start3A_45 : memref<1000xi32, #tpu.memory_space<hbm>>) target(%arg6 : memref<1000xi32, #tpu.memory_space<vmem>>) target_semaphore(%run_scoped3A : memref<!tpu.dma_semaphore, #tpu.memory_space<semaphore_mem>>)
          %dma_wait3A_46 = tpu.memref_slice %arg3[%add3A_40] : memref<160000xi32, #tpu.memory_space<hbm>> -> memref<1000xi32, #tpu.memory_space<hbm>>
          %dma_wait3A_47 = tpu.memref_slice %arg3[%add3A_40] : memref<160000xi32, #tpu.memory_space<hbm>> -> memref<1000xi32, #tpu.memory_space<hbm>>
          tpu.wait_dma2 semaphore(%run_scoped3A : memref<!tpu.dma_semaphore, #tpu.memory_space<semaphore_mem>>) src(%dma_wait3A_47 : memref<1000xi32, #tpu.memory_space<hbm>>) dst(%arg6 : memref<1000xi32, #tpu.memory_space<vmem>>)
          tpu.yield
        }) : () -> ()
        %dma_start3A_41 = arith.constant 0 : i32
        %dma_start3A_42 = arith.constant 0 : i32
        %dma_start3A_43 = tpu.memref_slice %arg2[%dma_start3A_41, %dma_start3A_42] : memref<10000x16xf32, #tpu.memory_space<hbm>> -> memref<10000x16xf32, #tpu.memory_space<hbm>>
        tpu.enqueue_indirect_dma source(%dma_start3A_43 : memref<10000x16xf32, #tpu.memory_space<hbm>>) target(%arg8 : memref<1000x16xf32, #tpu.memory_space<vmem>>) offsets(%arg6 : memref<1000xi32, #tpu.memory_space<vmem>>) semaphore(%arg10 : memref<!tpu.dma_semaphore, #tpu.memory_space<semaphore_mem>>)
      } else {
      }
      %dma_wait3A = arith.constant 0 : i32
      %dma_wait3A_23 = arith.constant 0 : i32
      %dma_wait3A_24 = tpu.memref_slice %arg2[%dma_wait3A, %dma_wait3A_23] : memref<10000x16xf32, #tpu.memory_space<hbm>> -> memref<10000x16xf32, #tpu.memory_space<hbm>>
      tpu.wait_indirect_dma semaphore(%arg9 : memref<!tpu.dma_semaphore, #tpu.memory_space<semaphore_mem>>) src(%dma_wait3A_24 : memref<10000x16xf32, #tpu.memory_space<hbm>>) dst(%arg7 : memref<1000x16xf32, #tpu.memory_space<vmem>>)
      %mul3A_25 = arith.constant 1000 : i32
      %mul3A_26 = arith.muli %mul3A_12, %mul3A_25 : i32
      %add3A_27 = arith.addi %mul3A_2, %mul3A_26 : i32
      "tpu.region"() ({
        %run_scoped3A = tpu.sem_alloc : memref<!tpu.dma_semaphore, #tpu.memory_space<semaphore_mem>>
        %dma_start3A_38 = arith.constant 0 : i32
        %dma_start3A_39 = tpu.memref_slice %arg4[%add3A_27, %dma_start3A_38] : memref<160000x16xf32, #tpu.memory_space<hbm>> -> memref<1000x16xf32, #tpu.memory_space<hbm>>
        %dma_start3A_40 = arith.constant 0 : i32
        %dma_start3A_41 = tpu.memref_slice %arg4[%add3A_27, %dma_start3A_40] : memref<160000x16xf32, #tpu.memory_space<hbm>> -> memref<1000x16xf32, #tpu.memory_space<hbm>>
        tpu.enqueue_dma source(%arg7 : memref<1000x16xf32, #tpu.memory_space<vmem>>) target(%dma_start3A_41 : memref<1000x16xf32, #tpu.memory_space<hbm>>) target_semaphore(%run_scoped3A : memref<!tpu.dma_semaphore, #tpu.memory_space<semaphore_mem>>)
        %dma_wait3A_42 = arith.constant 0 : i32
        %dma_wait3A_43 = tpu.memref_slice %arg4[%add3A_27, %dma_wait3A_42] : memref<160000x16xf32, #tpu.memory_space<hbm>> -> memref<1000x16xf32, #tpu.memory_space<hbm>>
        %dma_wait3A_44 = arith.constant 0 : i32
        %dma_wait3A_45 = tpu.memref_slice %arg4[%add3A_27, %dma_wait3A_44] : memref<160000x16xf32, #tpu.memory_space<hbm>> -> memref<1000x16xf32, #tpu.memory_space<hbm>>
        tpu.wait_dma2 semaphore(%run_scoped3A : memref<!tpu.dma_semaphore, #tpu.memory_space<semaphore_mem>>) src(%arg7 : memref<1000x16xf32, #tpu.memory_space<vmem>>) dst(%dma_wait3A_45 : memref<1000x16xf32, #tpu.memory_space<hbm>>)
        tpu.yield
      }) : () -> ()
      %lt3A_28 = arith.constant 5 : i32
      %lt3A_29 = arith.cmpi slt, %add3A_20, %lt3A_28 : i32
      %convert_element_type3A_30 = arith.extui %lt3A_29 : i1 to i32
      %cond3A_31 = arith.constant 0 : i32
      %cond3A_32 = arith.cmpi ne, %convert_element_type3A_30, %cond3A_31 : i32
      scf.if %cond3A_32 {
        %mul3A_38 = arith.constant 1000 : i32
        %mul3A_39 = arith.muli %add3A_20, %mul3A_38 : i32
        %add3A_40 = arith.addi %mul3A_2, %mul3A_39 : i32
        "tpu.region"() ({
          %run_scoped3A = tpu.sem_alloc : memref<!tpu.dma_semaphore, #tpu.memory_space<semaphore_mem>>
          %dma_start3A_44 = tpu.memref_slice %arg3[%add3A_40] : memref<160000xi32, #tpu.memory_space<hbm>> -> memref<1000xi32, #tpu.memory_space<hbm>>
          %dma_start3A_45 = tpu.memref_slice %arg3[%add3A_40] : memref<160000xi32, #tpu.memory_space<hbm>> -> memref<1000xi32, #tpu.memory_space<hbm>>
          tpu.enqueue_dma source(%dma_start3A_45 : memref<1000xi32, #tpu.memory_space<hbm>>) target(%arg5 : memref<1000xi32, #tpu.memory_space<vmem>>) target_semaphore(%run_scoped3A : memref<!tpu.dma_semaphore, #tpu.memory_space<semaphore_mem>>)
          %dma_wait3A_46 = tpu.memref_slice %arg3[%add3A_40] : memref<160000xi32, #tpu.memory_space<hbm>> -> memref<1000xi32, #tpu.memory_space<hbm>>
          %dma_wait3A_47 = tpu.memref_slice %arg3[%add3A_40] : memref<160000xi32, #tpu.memory_space<hbm>> -> memref<1000xi32, #tpu.memory_space<hbm>>
          tpu.wait_dma2 semaphore(%run_scoped3A : memref<!tpu.dma_semaphore, #tpu.memory_space<semaphore_mem>>) src(%dma_wait3A_47 : memref<1000xi32, #tpu.memory_space<hbm>>) dst(%arg5 : memref<1000xi32, #tpu.memory_space<vmem>>)
          tpu.yield
        }) : () -> ()
        %dma_start3A_41 = arith.constant 0 : i32
        %dma_start3A_42 = arith.constant 0 : i32
        %dma_start3A_43 = tpu.memref_slice %arg2[%dma_start3A_41, %dma_start3A_42] : memref<10000x16xf32, #tpu.memory_space<hbm>> -> memref<10000x16xf32, #tpu.memory_space<hbm>>
        tpu.enqueue_indirect_dma source(%dma_start3A_43 : memref<10000x16xf32, #tpu.memory_space<hbm>>) target(%arg7 : memref<1000x16xf32, #tpu.memory_space<vmem>>) offsets(%arg5 : memref<1000xi32, #tpu.memory_space<vmem>>) semaphore(%arg9 : memref<!tpu.dma_semaphore, #tpu.memory_space<semaphore_mem>>)
      } else {
      }
      %lt3A_33 = arith.constant 5 : i32
      %lt3A_34 = arith.cmpi slt, %add3A_16, %lt3A_33 : i32
      %convert_element_type3A_35 = arith.extui %lt3A_34 : i1 to i32
      %cond3A_36 = arith.constant 0 : i32
      %cond3A_37 = arith.cmpi ne, %convert_element_type3A_35, %cond3A_36 : i32
      scf.if %cond3A_37 {
        %dma_wait3A_38 = arith.constant 0 : i32
        %dma_wait3A_39 = arith.constant 0 : i32
        %dma_wait3A_40 = tpu.memref_slice %arg2[%dma_wait3A_38, %dma_wait3A_39] : memref<10000x16xf32, #tpu.memory_space<hbm>> -> memref<10000x16xf32, #tpu.memory_space<hbm>>
        tpu.wait_indirect_dma semaphore(%arg10 : memref<!tpu.dma_semaphore, #tpu.memory_space<semaphore_mem>>) src(%dma_wait3A_40 : memref<10000x16xf32, #tpu.memory_space<hbm>>) dst(%arg8 : memref<1000x16xf32, #tpu.memory_space<vmem>>)
        %mul3A_41 = arith.constant 1000 : i32
        %mul3A_42 = arith.muli %add3A_16, %mul3A_41 : i32
        %add3A_43 = arith.addi %mul3A_2, %mul3A_42 : i32
        "tpu.region"() ({
          %run_scoped3A = tpu.sem_alloc : memref<!tpu.dma_semaphore, #tpu.memory_space<semaphore_mem>>
          %dma_start3A_44 = arith.constant 0 : i32
          %dma_start3A_45 = tpu.memref_slice %arg4[%add3A_43, %dma_start3A_44] : memref<160000x16xf32, #tpu.memory_space<hbm>> -> memref<1000x16xf32, #tpu.memory_space<hbm>>
          %dma_start3A_46 = arith.constant 0 : i32
          %dma_start3A_47 = tpu.memref_slice %arg4[%add3A_43, %dma_start3A_46] : memref<160000x16xf32, #tpu.memory_space<hbm>> -> memref<1000x16xf32, #tpu.memory_space<hbm>>
          tpu.enqueue_dma source(%arg8 : memref<1000x16xf32, #tpu.memory_space<vmem>>) target(%dma_start3A_47 : memref<1000x16xf32, #tpu.memory_space<hbm>>) target_semaphore(%run_scoped3A : memref<!tpu.dma_semaphore, #tpu.memory_space<semaphore_mem>>)
          %dma_wait3A_48 = arith.constant 0 : i32
          %dma_wait3A_49 = tpu.memref_slice %arg4[%add3A_43, %dma_wait3A_48] : memref<160000x16xf32, #tpu.memory_space<hbm>> -> memref<1000x16xf32, #tpu.memory_space<hbm>>
          %dma_wait3A_50 = arith.constant 0 : i32
          %dma_wait3A_51 = tpu.memref_slice %arg4[%add3A_43, %dma_wait3A_50] : memref<160000x16xf32, #tpu.memory_space<hbm>> -> memref<1000x16xf32, #tpu.memory_space<hbm>>
          tpu.wait_dma2 semaphore(%run_scoped3A : memref<!tpu.dma_semaphore, #tpu.memory_space<semaphore_mem>>) src(%arg8 : memref<1000x16xf32, #tpu.memory_space<vmem>>) dst(%dma_wait3A_51 : memref<1000x16xf32, #tpu.memory_space<hbm>>)
          tpu.yield
        }) : () -> ()
      } else {
      }
    }
    %scan3A_9 = arith.constant 3 : i32
    return
  }
}

#map = affine_map<(d0, d1) -> (0, 0)>
#map1 = affine_map<(d0, d1) -> (0)>
module attributes {stable_mosaic.version = 14 : i64} {
  func.func @sc_gather(%arg0: i32, %arg1: i32, %arg2: memref<10000x128xf32, #tpu.memory_space<hbm>>, %arg3: memref<160000xi32, #tpu.memory_space<hbm>>, %arg4: memref<160000x128xf32, #tpu.memory_space<hbm>>, %arg5: memref<200xi32, #tpu.memory_space<vmem>>, %arg6: memref<200xi32, #tpu.memory_space<vmem>>, %arg7: memref<200x128xf32, #tpu.memory_space<vmem>>, %arg8: memref<200x128xf32, #tpu.memory_space<vmem>>, %arg9: memref<!tpu.dma_semaphore, #tpu.memory_space<semaphore_mem>>, %arg10: memref<!tpu.dma_semaphore, #tpu.memory_space<semaphore_mem>>) attributes {dimension_semantics = [#tpu.dimension_semantics<core_parallel>, #tpu.dimension_semantics<subcore_parallel>], iteration_bounds = array<i64: 2, 16>, scalar_prefetch = 0 : i64, scratch_operands = 6 : i64, tpu.core_type = #tpu.core_type<sc_vector_subcore>, window_params = [{transform_indices = #map}, {transform_indices = #map1}, {transform_indices = #map}]} {
    %mul3A = arith.constant 2 : i32
    %mul3A_0 = arith.muli %arg1, %mul3A : i32
    %add3A = arith.addi %mul3A_0, %arg0 : i32
    %mul3A_1 = arith.constant 5000 : i32
    %mul3A_2 = arith.muli %add3A, %mul3A_1 : i32
    "tpu.region"() ({
      %run_scoped3A = tpu.sem_alloc : memref<!tpu.dma_semaphore, #tpu.memory_space<semaphore_mem>>
      %dma_start3A_10 = tpu.memref_slice %arg3[%mul3A_2] : memref<160000xi32, #tpu.memory_space<hbm>> -> memref<200xi32, #tpu.memory_space<hbm>>
      %dma_start3A_11 = tpu.memref_slice %arg3[%mul3A_2] : memref<160000xi32, #tpu.memory_space<hbm>> -> memref<200xi32, #tpu.memory_space<hbm>>
      tpu.enqueue_dma source(%dma_start3A_11 : memref<200xi32, #tpu.memory_space<hbm>>) target(%arg5 : memref<200xi32, #tpu.memory_space<vmem>>) target_semaphore(%run_scoped3A : memref<!tpu.dma_semaphore, #tpu.memory_space<semaphore_mem>>)
      %dma_wait3A = tpu.memref_slice %arg3[%mul3A_2] : memref<160000xi32, #tpu.memory_space<hbm>> -> memref<200xi32, #tpu.memory_space<hbm>>
      %dma_wait3A_12 = tpu.memref_slice %arg3[%mul3A_2] : memref<160000xi32, #tpu.memory_space<hbm>> -> memref<200xi32, #tpu.memory_space<hbm>>
      tpu.wait_dma2 semaphore(%run_scoped3A : memref<!tpu.dma_semaphore, #tpu.memory_space<semaphore_mem>>) src(%dma_wait3A_12 : memref<200xi32, #tpu.memory_space<hbm>>) dst(%arg5 : memref<200xi32, #tpu.memory_space<vmem>>)
      tpu.yield
    }) : () -> ()
    %dma_start3A = arith.constant 0 : i32
    %dma_start3A_3 = arith.constant 0 : i32
    %dma_start3A_4 = tpu.memref_slice %arg2[%dma_start3A, %dma_start3A_3] : memref<10000x128xf32, #tpu.memory_space<hbm>> -> memref<10000x128xf32, #tpu.memory_space<hbm>>
    tpu.enqueue_indirect_dma source(%dma_start3A_4 : memref<10000x128xf32, #tpu.memory_space<hbm>>) target(%arg7 : memref<200x128xf32, #tpu.memory_space<vmem>>) offsets(%arg5 : memref<200xi32, #tpu.memory_space<vmem>>) semaphore(%arg9 : memref<!tpu.dma_semaphore, #tpu.memory_space<semaphore_mem>>)
    %scan3A = arith.constant 0 : i32
    %scan3A_5 = arith.constant 0 : i32
    %scan3A_6 = arith.constant 13 : i32
    %scan3A_7 = arith.addi %scan3A_5, %scan3A_6 : i32
    %scan3A_8 = arith.constant 1 : i32
    scf.for %scan3A_10 = %scan3A_5 to %scan3A_7 step %scan3A_8  : i32 {
      %mul3A_11 = arith.constant 2 : i32
      %mul3A_12 = arith.muli %mul3A_11, %scan3A_10 : i32
      %mul3A_13 = arith.constant 2 : i32
      %mul3A_14 = arith.muli %mul3A_13, %scan3A_10 : i32
      %add3A_15 = arith.constant 1 : i32
      %add3A_16 = arith.addi %mul3A_14, %add3A_15 : i32
      %mul3A_17 = arith.constant 2 : i32
      %mul3A_18 = arith.muli %mul3A_17, %scan3A_10 : i32
      %add3A_19 = arith.constant 2 : i32
      %add3A_20 = arith.addi %mul3A_18, %add3A_19 : i32
      %lt3A = arith.constant 25 : i32
      %lt3A_21 = arith.cmpi slt, %add3A_16, %lt3A : i32
      %convert_element_type3A = arith.extui %lt3A_21 : i1 to i32
      %cond3A = arith.constant 0 : i32
      %cond3A_22 = arith.cmpi ne, %convert_element_type3A, %cond3A : i32
      scf.if %cond3A_22 {
        %mul3A_38 = arith.constant 200 : i32
        %mul3A_39 = arith.muli %add3A_16, %mul3A_38 : i32
        %add3A_40 = arith.addi %mul3A_2, %mul3A_39 : i32
        "tpu.region"() ({
          %run_scoped3A = tpu.sem_alloc : memref<!tpu.dma_semaphore, #tpu.memory_space<semaphore_mem>>
          %dma_start3A_44 = tpu.memref_slice %arg3[%add3A_40] : memref<160000xi32, #tpu.memory_space<hbm>> -> memref<200xi32, #tpu.memory_space<hbm>>
          %dma_start3A_45 = tpu.memref_slice %arg3[%add3A_40] : memref<160000xi32, #tpu.memory_space<hbm>> -> memref<200xi32, #tpu.memory_space<hbm>>
          tpu.enqueue_dma source(%dma_start3A_45 : memref<200xi32, #tpu.memory_space<hbm>>) target(%arg6 : memref<200xi32, #tpu.memory_space<vmem>>) target_semaphore(%run_scoped3A : memref<!tpu.dma_semaphore, #tpu.memory_space<semaphore_mem>>)
          %dma_wait3A_46 = tpu.memref_slice %arg3[%add3A_40] : memref<160000xi32, #tpu.memory_space<hbm>> -> memref<200xi32, #tpu.memory_space<hbm>>
          %dma_wait3A_47 = tpu.memref_slice %arg3[%add3A_40] : memref<160000xi32, #tpu.memory_space<hbm>> -> memref<200xi32, #tpu.memory_space<hbm>>
          tpu.wait_dma2 semaphore(%run_scoped3A : memref<!tpu.dma_semaphore, #tpu.memory_space<semaphore_mem>>) src(%dma_wait3A_47 : memref<200xi32, #tpu.memory_space<hbm>>) dst(%arg6 : memref<200xi32, #tpu.memory_space<vmem>>)
          tpu.yield
        }) : () -> ()
        %dma_start3A_41 = arith.constant 0 : i32
        %dma_start3A_42 = arith.constant 0 : i32
        %dma_start3A_43 = tpu.memref_slice %arg2[%dma_start3A_41, %dma_start3A_42] : memref<10000x128xf32, #tpu.memory_space<hbm>> -> memref<10000x128xf32, #tpu.memory_space<hbm>>
        tpu.enqueue_indirect_dma source(%dma_start3A_43 : memref<10000x128xf32, #tpu.memory_space<hbm>>) target(%arg8 : memref<200x128xf32, #tpu.memory_space<vmem>>) offsets(%arg6 : memref<200xi32, #tpu.memory_space<vmem>>) semaphore(%arg10 : memref<!tpu.dma_semaphore, #tpu.memory_space<semaphore_mem>>)
      } else {
      }
      %dma_wait3A = arith.constant 0 : i32
      %dma_wait3A_23 = arith.constant 0 : i32
      %dma_wait3A_24 = tpu.memref_slice %arg2[%dma_wait3A, %dma_wait3A_23] : memref<10000x128xf32, #tpu.memory_space<hbm>> -> memref<10000x128xf32, #tpu.memory_space<hbm>>
      tpu.wait_indirect_dma semaphore(%arg9 : memref<!tpu.dma_semaphore, #tpu.memory_space<semaphore_mem>>) src(%dma_wait3A_24 : memref<10000x128xf32, #tpu.memory_space<hbm>>) dst(%arg7 : memref<200x128xf32, #tpu.memory_space<vmem>>)
      %mul3A_25 = arith.constant 200 : i32
      %mul3A_26 = arith.muli %mul3A_12, %mul3A_25 : i32
      %add3A_27 = arith.addi %mul3A_2, %mul3A_26 : i32
      "tpu.region"() ({
        %run_scoped3A = tpu.sem_alloc : memref<!tpu.dma_semaphore, #tpu.memory_space<semaphore_mem>>
        %dma_start3A_38 = arith.constant 0 : i32
        %dma_start3A_39 = tpu.memref_slice %arg4[%add3A_27, %dma_start3A_38] : memref<160000x128xf32, #tpu.memory_space<hbm>> -> memref<200x128xf32, #tpu.memory_space<hbm>>
        %dma_start3A_40 = arith.constant 0 : i32
        %dma_start3A_41 = tpu.memref_slice %arg4[%add3A_27, %dma_start3A_40] : memref<160000x128xf32, #tpu.memory_space<hbm>> -> memref<200x128xf32, #tpu.memory_space<hbm>>
        tpu.enqueue_dma source(%arg7 : memref<200x128xf32, #tpu.memory_space<vmem>>) target(%dma_start3A_41 : memref<200x128xf32, #tpu.memory_space<hbm>>) target_semaphore(%run_scoped3A : memref<!tpu.dma_semaphore, #tpu.memory_space<semaphore_mem>>)
        %dma_wait3A_42 = arith.constant 0 : i32
        %dma_wait3A_43 = tpu.memref_slice %arg4[%add3A_27, %dma_wait3A_42] : memref<160000x128xf32, #tpu.memory_space<hbm>> -> memref<200x128xf32, #tpu.memory_space<hbm>>
        %dma_wait3A_44 = arith.constant 0 : i32
        %dma_wait3A_45 = tpu.memref_slice %arg4[%add3A_27, %dma_wait3A_44] : memref<160000x128xf32, #tpu.memory_space<hbm>> -> memref<200x128xf32, #tpu.memory_space<hbm>>
        tpu.wait_dma2 semaphore(%run_scoped3A : memref<!tpu.dma_semaphore, #tpu.memory_space<semaphore_mem>>) src(%arg7 : memref<200x128xf32, #tpu.memory_space<vmem>>) dst(%dma_wait3A_45 : memref<200x128xf32, #tpu.memory_space<hbm>>)
        tpu.yield
      }) : () -> ()
      %lt3A_28 = arith.constant 25 : i32
      %lt3A_29 = arith.cmpi slt, %add3A_20, %lt3A_28 : i32
      %convert_element_type3A_30 = arith.extui %lt3A_29 : i1 to i32
      %cond3A_31 = arith.constant 0 : i32
      %cond3A_32 = arith.cmpi ne, %convert_element_type3A_30, %cond3A_31 : i32
      scf.if %cond3A_32 {
        %mul3A_38 = arith.constant 200 : i32
        %mul3A_39 = arith.muli %add3A_20, %mul3A_38 : i32
        %add3A_40 = arith.addi %mul3A_2, %mul3A_39 : i32
        "tpu.region"() ({
          %run_scoped3A = tpu.sem_alloc : memref<!tpu.dma_semaphore, #tpu.memory_space<semaphore_mem>>
          %dma_start3A_44 = tpu.memref_slice %arg3[%add3A_40] : memref<160000xi32, #tpu.memory_space<hbm>> -> memref<200xi32, #tpu.memory_space<hbm>>
          %dma_start3A_45 = tpu.memref_slice %arg3[%add3A_40] : memref<160000xi32, #tpu.memory_space<hbm>> -> memref<200xi32, #tpu.memory_space<hbm>>
          tpu.enqueue_dma source(%dma_start3A_45 : memref<200xi32, #tpu.memory_space<hbm>>) target(%arg5 : memref<200xi32, #tpu.memory_space<vmem>>) target_semaphore(%run_scoped3A : memref<!tpu.dma_semaphore, #tpu.memory_space<semaphore_mem>>)
          %dma_wait3A_46 = tpu.memref_slice %arg3[%add3A_40] : memref<160000xi32, #tpu.memory_space<hbm>> -> memref<200xi32, #tpu.memory_space<hbm>>
          %dma_wait3A_47 = tpu.memref_slice %arg3[%add3A_40] : memref<160000xi32, #tpu.memory_space<hbm>> -> memref<200xi32, #tpu.memory_space<hbm>>
          tpu.wait_dma2 semaphore(%run_scoped3A : memref<!tpu.dma_semaphore, #tpu.memory_space<semaphore_mem>>) src(%dma_wait3A_47 : memref<200xi32, #tpu.memory_space<hbm>>) dst(%arg5 : memref<200xi32, #tpu.memory_space<vmem>>)
          tpu.yield
        }) : () -> ()
        %dma_start3A_41 = arith.constant 0 : i32
        %dma_start3A_42 = arith.constant 0 : i32
        %dma_start3A_43 = tpu.memref_slice %arg2[%dma_start3A_41, %dma_start3A_42] : memref<10000x128xf32, #tpu.memory_space<hbm>> -> memref<10000x128xf32, #tpu.memory_space<hbm>>
        tpu.enqueue_indirect_dma source(%dma_start3A_43 : memref<10000x128xf32, #tpu.memory_space<hbm>>) target(%arg7 : memref<200x128xf32, #tpu.memory_space<vmem>>) offsets(%arg5 : memref<200xi32, #tpu.memory_space<vmem>>) semaphore(%arg9 : memref<!tpu.dma_semaphore, #tpu.memory_space<semaphore_mem>>)
      } else {
      }
      %lt3A_33 = arith.constant 25 : i32
      %lt3A_34 = arith.cmpi slt, %add3A_16, %lt3A_33 : i32
      %convert_element_type3A_35 = arith.extui %lt3A_34 : i1 to i32
      %cond3A_36 = arith.constant 0 : i32
      %cond3A_37 = arith.cmpi ne, %convert_element_type3A_35, %cond3A_36 : i32
      scf.if %cond3A_37 {
        %dma_wait3A_38 = arith.constant 0 : i32
        %dma_wait3A_39 = arith.constant 0 : i32
        %dma_wait3A_40 = tpu.memref_slice %arg2[%dma_wait3A_38, %dma_wait3A_39] : memref<10000x128xf32, #tpu.memory_space<hbm>> -> memref<10000x128xf32, #tpu.memory_space<hbm>>
        tpu.wait_indirect_dma semaphore(%arg10 : memref<!tpu.dma_semaphore, #tpu.memory_space<semaphore_mem>>) src(%dma_wait3A_40 : memref<10000x128xf32, #tpu.memory_space<hbm>>) dst(%arg8 : memref<200x128xf32, #tpu.memory_space<vmem>>)
        %mul3A_41 = arith.constant 200 : i32
        %mul3A_42 = arith.muli %add3A_16, %mul3A_41 : i32
        %add3A_43 = arith.addi %mul3A_2, %mul3A_42 : i32
        "tpu.region"() ({
          %run_scoped3A = tpu.sem_alloc : memref<!tpu.dma_semaphore, #tpu.memory_space<semaphore_mem>>
          %dma_start3A_44 = arith.constant 0 : i32
          %dma_start3A_45 = tpu.memref_slice %arg4[%add3A_43, %dma_start3A_44] : memref<160000x128xf32, #tpu.memory_space<hbm>> -> memref<200x128xf32, #tpu.memory_space<hbm>>
          %dma_start3A_46 = arith.constant 0 : i32
          %dma_start3A_47 = tpu.memref_slice %arg4[%add3A_43, %dma_start3A_46] : memref<160000x128xf32, #tpu.memory_space<hbm>> -> memref<200x128xf32, #tpu.memory_space<hbm>>
          tpu.enqueue_dma source(%arg8 : memref<200x128xf32, #tpu.memory_space<vmem>>) target(%dma_start3A_47 : memref<200x128xf32, #tpu.memory_space<hbm>>) target_semaphore(%run_scoped3A : memref<!tpu.dma_semaphore, #tpu.memory_space<semaphore_mem>>)
          %dma_wait3A_48 = arith.constant 0 : i32
          %dma_wait3A_49 = tpu.memref_slice %arg4[%add3A_43, %dma_wait3A_48] : memref<160000x128xf32, #tpu.memory_space<hbm>> -> memref<200x128xf32, #tpu.memory_space<hbm>>
          %dma_wait3A_50 = arith.constant 0 : i32
          %dma_wait3A_51 = tpu.memref_slice %arg4[%add3A_43, %dma_wait3A_50] : memref<160000x128xf32, #tpu.memory_space<hbm>> -> memref<200x128xf32, #tpu.memory_space<hbm>>
          tpu.wait_dma2 semaphore(%run_scoped3A : memref<!tpu.dma_semaphore, #tpu.memory_space<semaphore_mem>>) src(%arg8 : memref<200x128xf32, #tpu.memory_space<vmem>>) dst(%dma_wait3A_51 : memref<200x128xf32, #tpu.memory_space<hbm>>)
          tpu.yield
        }) : () -> ()
      } else {
      }
    }
    %scan3A_9 = arith.constant 13 : i32
    return
  }
}

module attributes {stable_mosaic.version = 14 : i64} {
  func.func @_tc_body(%arg0: i32, %arg1: memref<6400x128xf32, #tpu.memory_space<vmem>>, %arg2: memref<200x512xf32, #tpu.memory_space<vmem>>, %arg3: memref<200x16xf32, #tpu.memory_space<vmem>>, %arg4: memref<16x16xf32, #tpu.memory_space<vmem>>, %arg5: memref<16x16xf32, #tpu.memory_space<vmem>>, %arg6: memref<2048x128xf32, #tpu.memory_space<vmem>>, %arg7: memref<200x128xf32, #tpu.memory_space<vmem>>) attributes {dimension_semantics = [#tpu.dimension_semantics<arbitrary>], iteration_bounds = array<i64: 25>, scalar_prefetch = 0 : i64, scratch_operands = 0 : i64, tpu.core_type = #tpu.core_type<tc>, window_params = [{transform_indices = @transform_0, window_bounds = array<i64: 6400, 128>}, {transform_indices = @transform_1, window_bounds = array<i64: 200, 512>}, {transform_indices = @transform_2, window_bounds = array<i64: 200, 16>}, {pipeline_mode = #tpu.pipeline_mode<synchronous>, transform_indices = @transform_3, window_bounds = array<i64: 16, 16>}, {pipeline_mode = #tpu.pipeline_mode<synchronous>, transform_indices = @transform_4, window_bounds = array<i64: 16, 16>}, {pipeline_mode = #tpu.pipeline_mode<synchronous>, transform_indices = @transform_5, window_bounds = array<i64: 2048, 128>}, {transform_indices = @transform_6, window_bounds = array<i64: 200, 128>}]} {
    %get3A = arith.constant 0 : index
    %get3A_0 = arith.constant 0 : index
    %get3A_1 = vector.load %arg1[%get3A, %get3A_0] : memref<6400x128xf32, #tpu.memory_space<vmem>>, vector<6400x128xf32>
    %get3A_2 = arith.constant 0 : index
    %get3A_3 = arith.constant 0 : index
    %get3A_4 = vector.load %arg2[%get3A_2, %get3A_3] : memref<200x512xf32, #tpu.memory_space<vmem>>, vector<200x512xf32>
    %reshape3A = vector.shape_cast %get3A_4 : vector<200x512xf32> to vector<200x32x16xf32>
    %get3A_5 = arith.constant 0 : index
    %get3A_6 = arith.constant 0 : index
    %get3A_7 = vector.load %arg3[%get3A_5, %get3A_6] : memref<200x16xf32, #tpu.memory_space<vmem>>, vector<200x16xf32>
    %get3A_8 = arith.constant 0 : index
    %get3A_9 = arith.constant 0 : index
    %get3A_10 = vector.load %arg4[%get3A_8, %get3A_9] : memref<16x16xf32, #tpu.memory_space<vmem>>, vector<16x16xf32>
    %broadcast_in_dim3A = vector.shape_cast %get3A_7 : vector<200x16xf32> to vector<200x1x16xf32>
    %sub3A = vector.broadcast %broadcast_in_dim3A : vector<200x1x16xf32> to vector<200x32x16xf32>
    %sub3A_11 = arith.subf %reshape3A, %sub3A : vector<200x32x16xf32>
    %reshape3A_12 = vector.shape_cast %sub3A_11 : vector<200x32x16xf32> to vector<6400x16xf32>
    %dot_general3A = arith.constant dense<0.000000e+00> : vector<6400x16xf32>
    %dot_general3A_13 = tpu.matmul %reshape3A_12, %get3A_10, %dot_general3A {dimension_numbers = #tpu.dot_dimension_numbers<[1], [0], [0], [1], [0, 0, 1, 1], [], []>, transpose_lhs_hint = false} : vector<6400x16xf32>, vector<16x16xf32>, vector<6400x16xf32> -> vector<6400x16xf32>
    %mul3A = arith.mulf %reshape3A_12, %reshape3A_12 : vector<6400x16xf32>
    %get3A_14 = arith.constant 0 : index
    %get3A_15 = arith.constant 0 : index
    %get3A_16 = vector.load %arg5[%get3A_14, %get3A_15] : memref<16x16xf32, #tpu.memory_space<vmem>>, vector<16x16xf32>
    %dot_general3A_17 = arith.constant dense<0.000000e+00> : vector<6400x16xf32>
    %dot_general3A_18 = tpu.matmul %mul3A, %get3A_16, %dot_general3A_17 {dimension_numbers = #tpu.dot_dimension_numbers<[1], [0], [0], [1], [0, 0, 1, 1], [], []>, transpose_lhs_hint = false} : vector<6400x16xf32>, vector<16x16xf32>, vector<6400x16xf32> -> vector<6400x16xf32>
    %mul3A_19 = arith.mulf %get3A_10, %get3A_10 : vector<16x16xf32>
    %reduce_sum3A = arith.constant dense<0.000000e+00> : vector<16xf32>
    %reduce_sum3A_20 = vector.multi_reduction <add>, %mul3A_19, %reduce_sum3A [0] : vector<16x16xf32> to vector<16xf32>
    %broadcast_in_dim3A_21 = vector.shape_cast %reduce_sum3A_20 : vector<16xf32> to vector<1x16xf32>
    %mul3A_22 = arith.constant 2.000000e+00 : f32
    %mul3A_23 = vector.broadcast %mul3A_22 : f32 to vector<6400x16xf32>
    %mul3A_24 = arith.mulf %mul3A_23, %dot_general3A_13 : vector<6400x16xf32>
    %sub3A_25 = arith.subf %dot_general3A_18, %mul3A_24 : vector<6400x16xf32>
    %add3A = vector.broadcast %broadcast_in_dim3A_21 : vector<1x16xf32> to vector<6400x16xf32>
    %add3A_26 = arith.addf %sub3A_25, %add3A : vector<6400x16xf32>
    %max3A = arith.constant 0.000000e+00 : f32
    %max3A_27 = vector.broadcast %max3A : f32 to vector<6400x16xf32>
    %max3A_28 = arith.maximumf %add3A_26, %max3A_27 : vector<6400x16xf32>
    %sqrt3A = math.sqrt %max3A_28 : vector<6400x16xf32>
    %mul3A_29 = arith.constant 0.833333313 : f32
    %mul3A_30 = vector.broadcast %mul3A_29 : f32 to vector<6400x16xf32>
    %mul3A_31 = arith.mulf %sqrt3A, %mul3A_30 : vector<6400x16xf32>
    %sub3A_32 = arith.constant 1.000000e+00 : f32
    %sub3A_33 = vector.broadcast %sub3A_32 : f32 to vector<6400x16xf32>
    %sub3A_34 = arith.subf %sub3A_33, %mul3A_31 : vector<6400x16xf32>
    %max3A_35 = arith.constant 0.000000e+00 : f32
    %max3A_36 = vector.broadcast %max3A_35 : f32 to vector<6400x16xf32>
    %max3A_37 = arith.maximumf %sub3A_34, %max3A_36 : vector<6400x16xf32>
    %iota3A = tpu.iota {dimensions = array<i32: 1>} : vector<1x16xi32>
    %lt3A = arith.constant 15 : i32
    %lt3A_38 = vector.broadcast %lt3A : i32 to vector<1x16xi32>
    %lt3A_39 = arith.cmpi slt, %iota3A, %lt3A_38 : vector<1x16xi32>
    %convert_element_type3A = arith.extui %lt3A_39 : vector<1x16xi1> to vector<1x16xi32>
    %convert_element_type3A_40 = arith.sitofp %convert_element_type3A : vector<1x16xi32> to vector<1x16xf32>
    %mul3A_41 = vector.broadcast %convert_element_type3A_40 : vector<1x16xf32> to vector<6400x16xf32>
    %mul3A_42 = arith.mulf %max3A_37, %mul3A_41 : vector<6400x16xf32>
    %reshape3A_43 = vector.shape_cast %mul3A_42 : vector<6400x16xf32> to vector<200x32x16xf32>
    %reshape3A_44 = vector.shape_cast %get3A_1 : vector<6400x128xf32> to vector<200x32x128xf32>
    %dot_general3A_45 = arith.constant dense<0.000000e+00> : vector<200x16x128xf32>
    %dot_general3A_46 = tpu.matmul %reshape3A_43, %reshape3A_44, %dot_general3A_45 {dimension_numbers = #tpu.dot_dimension_numbers<[1], [1], [2], [2], [0, 0, 0, 2, 1, 2], [0], [0]>, transpose_lhs_hint = false} : vector<200x32x16xf32>, vector<200x32x128xf32>, vector<200x16x128xf32> -> vector<200x16x128xf32>
    %reshape3A_47 = vector.shape_cast %dot_general3A_46 : vector<200x16x128xf32> to vector<200x2048xf32>
    %get3A_48 = arith.constant 0 : index
    %get3A_49 = arith.constant 0 : index
    %get3A_50 = vector.load %arg6[%get3A_48, %get3A_49] : memref<2048x128xf32, #tpu.memory_space<vmem>>, vector<2048x128xf32>
    %dot_general3A_51 = arith.constant dense<0.000000e+00> : vector<200x128xf32>
    %dot_general3A_52 = tpu.matmul %reshape3A_47, %get3A_50, %dot_general3A_51 {dimension_numbers = #tpu.dot_dimension_numbers<[1], [0], [0], [1], [0, 0, 1, 1], [], []>, transpose_lhs_hint = false} : vector<200x2048xf32>, vector<2048x128xf32>, vector<200x128xf32> -> vector<200x128xf32>
    %reduce_sum3A_53 = arith.constant dense<0.000000e+00> : vector<200x32xf32>
    %reduce_sum3A_54 = vector.multi_reduction <add>, %reshape3A_44, %reduce_sum3A_53 [2] : vector<200x32x128xf32> to vector<200x32xf32>
    %gt3A = arith.constant 0.000000e+00 : f32
    %gt3A_55 = vector.broadcast %gt3A : f32 to vector<200x32xf32>
    %gt3A_56 = arith.cmpf ogt, %reduce_sum3A_54, %gt3A_55 : vector<200x32xf32>
    %convert_element_type3A_57 = arith.extui %gt3A_56 : vector<200x32xi1> to vector<200x32xi32>
    %convert_element_type3A_58 = arith.sitofp %convert_element_type3A_57 : vector<200x32xi32> to vector<200x32xf32>
    %reduce_sum3A_59 = arith.constant dense<0.000000e+00> : vector<200xf32>
    %reduce_sum3A_60 = vector.multi_reduction <add>, %convert_element_type3A_58, %reduce_sum3A_59 [1] : vector<200x32xf32> to vector<200xf32>
    %broadcast_in_dim3A_61 = vector.shape_cast %reduce_sum3A_60 : vector<200xf32> to vector<200x1xf32>
    %max3A_62 = arith.constant 1.000000e+00 : f32
    %max3A_63 = vector.broadcast %max3A_62 : f32 to vector<200x1xf32>
    %max3A_64 = arith.maximumf %broadcast_in_dim3A_61, %max3A_63 : vector<200x1xf32>
    %div3A = vector.broadcast %max3A_64 : vector<200x1xf32> to vector<200x128xf32>
    %div3A_65 = arith.divf %dot_general3A_52, %div3A : vector<200x128xf32>
    %swap3A = arith.constant 0 : index
    %swap3A_66 = arith.constant 0 : index
    %swap3A_67 = vector.load %arg7[%swap3A, %swap3A_66] : memref<200x128xf32, #tpu.memory_space<vmem>>, vector<200x128xf32>
    tpu.vector_store %arg7[%swap3A, %swap3A_66], %div3A_65 {strides = array<i32>} : memref<200x128xf32, #tpu.memory_space<vmem>>, vector<200x128xf32>,
    return
  }
  func.func @transform_0(%arg0: i32) -> (i32, i32) {
    %c0_i32 = arith.constant 0 : i32
    %c0_i32_0 = arith.constant 0 : i32
    return %arg0, %c0_i32 : i32, i32
  }
  func.func @transform_1(%arg0: i32) -> (i32, i32) {
    %c0_i32 = arith.constant 0 : i32
    %c0_i32_0 = arith.constant 0 : i32
    return %arg0, %c0_i32 : i32, i32
  }
  func.func @transform_2(%arg0: i32) -> (i32, i32) {
    %c0_i32 = arith.constant 0 : i32
    %c0_i32_0 = arith.constant 0 : i32
    return %arg0, %c0_i32 : i32, i32
  }
  func.func @transform_3(%arg0: i32) -> (i32, i32) {
    %c0_i32 = arith.constant 0 : i32
    %c0_i32_0 = arith.constant 0 : i32
    %c0_i32_1 = arith.constant 0 : i32
    return %c0_i32, %c0_i32_0 : i32, i32
  }
  func.func @transform_4(%arg0: i32) -> (i32, i32) {
    %c0_i32 = arith.constant 0 : i32
    %c0_i32_0 = arith.constant 0 : i32
    %c0_i32_1 = arith.constant 0 : i32
    return %c0_i32, %c0_i32_0 : i32, i32
  }
  func.func @transform_5(%arg0: i32) -> (i32, i32) {
    %c0_i32 = arith.constant 0 : i32
    %c0_i32_0 = arith.constant 0 : i32
    %c0_i32_1 = arith.constant 0 : i32
    return %c0_i32, %c0_i32_0 : i32, i32
  }
  func.func @transform_6(%arg0: i32) -> (i32, i32) {
    %c0_i32 = arith.constant 0 : i32
    %c0_i32_0 = arith.constant 0 : i32
    return %arg0, %c0_i32 : i32, i32
  }
}

</mosaic_0001>

<sc_bundles>
// kernel: kernel.11.cloned.1.call-start
scs
__scs_entry_jumppad:
0x0: {  	(pc) =	sbr.rel $0x88, $3  }
0x1: {  	(tag) =	ssettag $0x0;
	lr =	simm.s32 $0x1  }
0x2: {  	[smem:$0x3F9B] =	sst lr;
	_ =	strace $0xD0000000  }
0x3: {  	_ = 	snop  }
0x4: {  	_ = 	snop  }
0x5: {  	_ = 	snop  }
0x6: {  	_ = 	snop  }
0x7: {  	_ = 	snop  }
__scs_overlays_trampoline_lowered:
0x8: {  	[smem:$0x3FAA] =	sst s0  }
0x9: {  	[smem:$0x3FAB] =	sst s1  }
0xa: {  	[smem:$0x3FAC] =	sst s2  }
0xb: {  	[smem:$0x3FAD] =	sst s3  }
0xc: {  	[smem:$0x3FAE] =	sst s4  }
0xd: {  	[smem:$0x3FAF] =	sst s5  }
0xe: {  	[smem:$0x3FB0] =	sst s6  }
0xf: {  	[smem:$0x3FB1] =	sst s7  }
0x10: {  	[smem:$0x3FB2] =	sst s8  }
0x11: {  	[smem:$0x3FB3] =	sst s9;
	s0 =	simm.s32 @!p0 $0x0  }
0x12: {  	s1 =	sld [smem:$0x3F99];
	s0 =	simm.s32 @p0 $0x1  }
0x13: {  	[smem:$0x3FB4] =	sst s0;
	s0 =	simm.s32 @!p1 $0x0  }
0x14: {  	s2 =	sld [smem:$0x3F98];
	s0 =	simm.s32 @p1 $0x1  }
0x15: {  	[smem:$0x3FB5] =	sst s0;
	s0 =	simm.s32 @!p2 $0x0  }
0x16: {  	s3 =	sld [smem:$0x3FDB];
	s0 =	simm.s32 @p2 $0x1  }
0x17: {  	s4 =	simm.s32 $0x1BF5;
	[smem:$0x3FB7] =	sst s0  }
0x18: {  	s0 =	sld [smem:$0x3F9A];
	_ =	swait.ge [sflag:s4], $0x0  }
0x19: {  	s7 =	sld [smem:$0x3F9B]  }
0x1a: {  	s8 =	sadd.s32 $0xFFFFE003, lr  }
0x1b: {  	s9 =	sadd.s32 $0xFFFFFEF7, lr;
	s5 =	simm.s32 $0xFFFFFFFF;
	p2 =	slt.u32 s8, $0xFFFFF086  }
0x1c: {  	p1 =	slt.u32 s9, $0xF7A;
	s5 =	simm.s32 @!p2 $0x0  }
0x1d: {  	s5 =	simm.s32 @p1 $0x1;
	p0 =	seq.s32 s7, s2  }
0x1e: {  	s7 =	smul.u32 @!p0 $0xF7A, s2;
	p2 =	seq.s32 @!p0 s5, $0x0  }
0x1f: {  	s9 =	smul.u32 $0xF7A, s1;
	s8 =	simm.s32 @!p0 $0x1BF5;
	p2 =	por !p2, p0  }
0x20: {  	[sflag:s8] =	ssyncset.s32 @!p0 $0xFFFFF086;
	s6 =	sadd.s32 @!p0 s3, s7;
	s7 =	simm.s32 @!p0 $0x108  }
0x21: {  	s3 =	sadd.s32 s3, s9;
	s6 =	sadd.s32 @!p0 $0x88, s6;
	s7 =	simm.s32 @p2 $0x1082  }
0x22: {  	[simem:s7], [sflag:s8] =	dma.local @!p0 [hbm:s6], $0xF7A  }
0x23: {  	s9 =	sor.u32 $0xD0000000, s2;
	s6 =	simm.s32 $0x108;
	_ =	swait.ge @!p0 [sflag:s8], $0x0  }
0x24: {  	s3 =	sadd.s32 $0x88, s3;
	s6 =	simm.s32 @!p1 $0x1082;
	[sflag:s4] =	ssyncset.s32 $0xFFFFF086  }
0x25: {  	[simem:s6], [sflag:s4] =	dma.local [hbm:s3], $0xF7A  }
0x26: {  	[smem:$0x3F9B] =	sst s1;
	(tag) =	ssettag s2;
	_ =	strace s9  }
0x27: {  	s1 =	sld [smem:$0x3FAB]  }
0x28: {  	s2 =	sld [smem:$0x3FAC]  }
0x29: {  	s4 =	sld [smem:$0x3FAE]  }
0x2a: {  	p0 =	seq.s32 s5, $0x0;
	s5 =	sld [smem:$0x3FAF]  }
0x2b: {  	s6 =	sld [smem:$0x3FB0]  }
0x2c: {  	s7 =	sld [smem:$0x3FB1]  }
0x2d: {  	s3 =	simm.s32 $0x108;
	s8 =	sld [smem:$0x3FB2]  }
0x2e: {  	s3 =	simm.s32 @!p0 $0x1082;
	s9 =	sld [smem:$0x3FB3]  }
0x2f: {  	lr =	sadd.s32 s0, s3;
	s0 =	sld [smem:$0x3FAA]  }
0x30: {  	s3 =	sld [smem:$0x3FAD]  }
0x31: {  	[smem:$0x3FB6] =	sst s10  }
0x32: {  	s10 =	sld [smem:$0x3FB4];
	_ =	sdelay $0x3  }
0x33: {  	p0 =	seq.s32 s10, $0x1;
	s10 =	sld [smem:$0x3FB6];
	_ =	sdelay $0x3  }
0x34: {  	[smem:$0x3FB6] =	sst s10  }
0x35: {  	s10 =	sld [smem:$0x3FB5];
	_ =	sdelay $0x3  }
0x36: {  	p1 =	seq.s32 s10, $0x1;
	s10 =	sld [smem:$0x3FB6];
	_ =	sdelay $0x3  }
0x37: {  	[smem:$0x3FB6] =	sst s10  }
0x38: {  	s10 =	sld [smem:$0x3FB7]  }
0x39: {  	_ = 	snop;
	(pc) =	sbr.ind lr, $3  }
0x3a: {  	_ = 	snop  }
0x3b: {  	_ = 	snop  }
0x3c: {  	p2 =	seq.s32 s10, $0x1;
	s10 =	sld [smem:$0x3FB6]  }
0x3d: {  	_ =	shalt  }
0x3e: {  	_ =	shalt  }
0x3f: {  	_ =	shalt  }
0x40: {  	_ =	shalt  }
0x41: {  	_ =	shalt  }
0x42: {  	_ =	shalt  }
0x43: {  	_ =	shalt  }
0x44: {  	_ =	shalt  }
0x45: {  	_ =	shalt  }
0x46: {  	_ =	shalt  }
0x47: {  	_ =	shalt  }
0x48: {  	_ =	shalt  }
0x49: {  	_ =	shalt  }
0x4a: {  	_ =	shalt  }
0x4b: {  	_ =	shalt  }
0x4c: {  	_ =	shalt  }
0x4d: {  	_ =	shalt  }
0x4e: {  	_ =	shalt  }
0x4f: {  	_ =	shalt  }
0x50: {  	_ =	shalt  }
0x51: {  	_ =	shalt  }
0x52: {  	_ =	shalt  }
0x53: {  	_ =	shalt  }
0x54: {  	_ =	shalt  }
0x55: {  	_ =	shalt  }
0x56: {  	_ =	shalt  }
0x57: {  	_ =	shalt  }
0x58: {  	_ =	shalt  }
0x59: {  	_ =	shalt  }
0x5a: {  	_ =	shalt  }
0x5b: {  	_ =	shalt  }
0x5c: {  	_ =	shalt  }
0x5d: {  	_ =	shalt  }
0x5e: {  	_ =	shalt  }
0x5f: {  	_ =	shalt  }
0x60: {  	_ =	shalt  }
0x61: {  	_ =	shalt  }
0x62: {  	_ =	shalt  }
0x63: {  	_ =	shalt  }
0x64: {  	_ =	shalt  }
0x65: {  	_ =	shalt  }
0x66: {  	_ =	shalt  }
0x67: {  	_ =	shalt  }
0x68: {  	_ =	shalt  }
0x69: {  	_ =	shalt  }
0x6a: {  	_ =	shalt  }
0x6b: {  	_ =	shalt  }
0x6c: {  	_ =	shalt  }
0x6d: {  	_ =	shalt  }
0x6e: {  	_ =	shalt  }
0x6f: {  	_ =	shalt  }
0x70: {  	_ =	shalt  }
0x71: {  	_ =	shalt  }
0x72: {  	_ =	shalt  }
0x73: {  	_ =	shalt  }
0x74: {  	_ =	shalt  }
0x75: {  	_ =	shalt  }
0x76: {  	_ =	shalt  }
0x77: {  	_ =	shalt  }
0x78: {  	_ =	shalt  }
0x79: {  	_ =	shalt  }
0x7a: {  	_ =	shalt  }
0x7b: {  	_ =	shalt  }
0x7c: {  	_ =	shalt  }
0x7d: {  	_ =	shalt  }
0x7e: {  	_ =	shalt  }
0x7f: {  	_ =	shalt  }
0x80: {  	_ =	shalt  }
0x81: {  	_ =	shalt  }
0x82: {  	_ =	shalt  }
0x83: {  	_ =	shalt  }
0x84: {  	_ =	shalt  }
0x85: {  	_ =	shalt  }
0x86: {  	_ =	shalt  }
0x87: {  	_ =	shalt  }
.Lfunc_end0:
.L_simem_size_0:
called_computation.1_lowered:
.L_overlay_start_0:
0x88: {  	s2 =	sld [smem:$0x3FD9]  }
0x89: {  	s3 =	sld [smem:$0x3FFE];
	_ =	sdelay $0x1  }
0x8a: {  	s1 =	srdreg.scid  }
0x8b: {  	s0 =	sand.u32 $0x1, s1  }
0x8c: {  	s16 =	sshll.u32 s0, $0xA;
	s2 =	sadd.s32 s3, s2  }
0x8d: {  	s2 =	sadd.s32 s2, s16  }
0x8e: {  	[smem:$0x3FC2] =	sst s2  }
0x8f: {  	_ = 	snop  }
0x90: {  	(tm) =	ssettm $0x1  }
0x91: {  	s17 =	sld [smem:$0x3FFB];
	_ =	sdelay $0x3  }
0x92: {  	_ =	strace s17  }
0x93: {  	s2 =	sld [smem:$0x3FFC];
	_ =	sdelay $0x3  }
0x94: {  	_ =	strace s2  }
0x95: {  	s2 =	sld [smem:$0x3FFD];
	_ =	sdelay $0x3  }
0x96: {  	_ =	strace s2  }
0x97: {  	_ =	strace $0x8FFFFFFF  }
0x98: {  	s18 =	sld [smem:$0x3FDB];
	_ =	sdelay $0x1  }
0x99: {  	s19 =	simm.s32 $_scs_section_size  }
0x9a: {  	s4 =	simm.s32 $_size__tile_overlayer_lowered;
	s5 =	simm.s32 $_tile_overlayer_lowered  }
0x9b: {  	s22 =	simm.s32 $0x1BFF;
	s21 =	sshll.u32 s5, $0x1;
	s2 =	sadd.s32 s19, s18  }
0x9c: {  	s6 =	simm.s32 $0x0;
	s20 =	sshll.u32 s4, $0x1;
	s4 =	sadd.s32 s21, s2  }
0x9d: {  	[timem:s6], [sflag:s22] =	dma.local [hbm:s4], s20  }
0x9e: {  	_ =	swait.ge [sflag:s22], s20  }
0x9f: {  	s3 =	ssub.s32 $0x0, s20;
	[sflag:s22] =	ssyncset.done $0x0  }
0xa0: {  	[sflag:s22] =	ssyncadd.s32 s3;
	_ =	sdelay $0x1  }
0xa1: {  	s23 =	simm.s32 $0x1B8B  }
0xa2: {  	_ =	swait.ge [sflag:s23], $0x1  }
0xa3: {  	[sflag:s23] =	ssyncset.done $0x0  }
0xa4: {  	s25 =	simm.s32 $0x1B8E;
	s24 =	sld [smem:$0x3FFE];
	[sflag:s23] =	ssyncadd.s32 $0xFFFFFFFF  }
0xa5: {  	s26 =	simm.s32 $execute0_lowered;
	[smem:$0x3FD2] =	sst s25  }
0xa6: {  	s4 =	sshll.u32 s26, $0x1;
	_ =	strace $0x80000046;
	[dreg:$0x1] =	wrdreg $0xFFFFFFFF  }
0xa7: {  	s28 =	simm.s32 $_size_execute0_lowered;
	s2 =	sadd.s32 s2, s4;
	[dreg:$0x0] =	wrdreg $0x0  }
0xa8: {  	s4 =	sshll.u32 s28, $0x1;
	[dreg:$0x2] =	wrdreg s2  }
0xa9: {  	[dreg:$0x3] =	wrdreg s4  }
0xaa: {  	[dreg:$0x4] =	wrdreg $0xC0  }
0xab: {  	_ =	task [dreg:s6], $0x5FFFF  }
0xac: {  	[dreg:$0x1] =	wrdreg $0xFFFFFFFF  }
0xad: {  	[dreg:$0x0] =	wrdreg $0x60  }
0xae: {  	[dreg:$0x2] =	wrdreg s24  }
0xaf: {  	[dreg:$0x3] =	wrdreg $0xA  }
0xb0: {  	_ =	task.clear_ibuf [dreg:s6], $0x4FFFF;
	_ =	strace $0x90000046  }
0xb1: {  	s29 =	simm.s32 $0xA;
	_ =	strace $0x80000048  }
0xb2: {  	_ =	swait.ge [sflag:s29], $0x1  }
0xb3: {  	[sflag:s29] =	ssyncadd.s32 $0xFFFFFFFF  }
0xb4: {  	_ =	strace $0x90000048  }
0xb5: {  	_ =	sfence  }
0xb6: {  	s30 =	sld [smem:$0x0];
	_ =	sdelay $0x2  }
0xb7: {  	s31 =	sshll.u32 s1, $0xD;
	s1 =	sshrl.u32 s1, $0x2  }
0xb8: {  	s3 =	sand.u32 $0x4000, s31;
	s1 =	sadd.s32 s1, s30  }
0xb9: {  	s0 =	sor.u32 s3, s0;
	s1 =	sshll.u32 s1, $0x11  }
0xba: {  	s0 =	sor.u32 s1, s0  }
0xbb: {  	s0 =	sadd.s32 $0x8F2B, s0  }
0xbc: {  	[sflag:s0] =	ssyncadd.remote.s32 $0x1  }
0xbd: {  	_ =	sfence.sel $0xFFFF  }
0xbe: {  	[dreg:$0x0] =	wrdreg $0xFFFFFFFF;
	(pc) =	sbr.abs _section_cstart, $3  }
0xbf: {  	[dreg:$0x1] =	wrdreg $0xFFFFFFFF  }
0xc0: {  	_ =	task.clear_ibuf [dreg:s6], $0x2FFFF;
	_ =	strace $0x9FFFFFFF  }
0xc1: {  	(tm) =	ssettm $0x7FFFFFFF  }
tec
execute0_lowered:
.L_overlay_start_1:
0x0: {  	(tag) =	ssettag $0x1  }
0x1: {  	s1 =	srdreg.scid;
	s0 =	stileid.u32  }
0x2: {  	s20 =	sand.u32 $0x1, s1;
	s29 =	sshll.u32 s0, $0x1  }
0x3: {  	s12 =	sor.u32 s20, s29  }
0x4: {  	s16 =	smul.u32 $0x1388, s12  }
0x5: {  	s13 =	rddreg [dreg:$0x0];
	s2 =	simm.s32 $0x0;
	s4 =	simm.s32 $0x3  }
0x6: {  	[smem:$0x7FF] =	sst s2;
	s17 =	sadd.s32 $0x6E00, s13;
	s3 =	sshrl.u32 s16, $0x3  }
0x7: {  	s1 =	rddreg [dreg:$0x1];
	_ =	strace $0x80000047;
	s3 =	sadd.s32 s17, s3  }
0x8: {  	[tilespmem:s2], [sflag:$0x3] =	stream.linear.gather [hbm4b:s3+s2], $0x3E8, $0x38;
	[tilespmem:$0x84D0] =	vst v63  }
0x9: {  	s7 =	simm.s32 $0x7D0;
	_ =	swait.ge [sflag:s4], $0x3E8  }
0xa: {  	s5 =	sadd.s32 $0x1E00, s13;
	s6 =	sadd.s32 $0x3E8, s16;
	[sflag:s4] =	ssyncset.done $0x0  }
0xb: {  	s8 =	sshrl.u32 s6, $0x3;
	s6 =	simm.s32 $0x3E8;
	[sflag:s4] =	ssyncadd.s32 $0xFFFFFC18  }
0xc: {  	[tilespmem:s7], [sflag:$0x1] =	stream.indirect.gather [hbm4b:s5+s6], $0x10, s2, s6, $0xb8;
	[tilespmem:$0x84D0] =	vst v63  }
0xd: {  	s9 =	sadd.s32 s17, s8;
	s8 =	simm.s32 $0x4  }
0xe: {  	[tilespmem:s6], [sflag:$0x4] =	stream.linear.gather [hbm4b:s9+s2], $0x3E8, $0x38;
	[tilespmem:$0x84D0] =	vst v63  }
0xf: {  	_ =	swait.ge [sflag:s8], $0x3E8  }
0x10: {  	[sflag:s8] =	ssyncset.done $0x0  }
0x11: {  	s10 =	simm.s32 $0x4650;
	s11 =	simm.s32 $0x1;
	[sflag:s8] =	ssyncadd.s32 $0xFFFFFC18  }
0x12: {  	[tilespmem:s10], [sflag:$0x2] =	stream.indirect.gather [hbm4b:s5+s6], $0x10, s6, s6, $0xb8;
	[tilespmem:$0x84D0] =	vst v63  }
0x13: {  	s12 =	smul.u32 $0x2710, s12;
	_ =	swait.ge [sflag:s11], $0x3E80  }
0x14: {  	s18 =	sadd.s32 $0xBE00, s13;
	[sflag:s11] =	ssyncset.done $0x0  }
0x15: {  	s12 =	sadd.s32 s18, s12;
	[sflag:s11] =	ssyncadd.s32 $0xFFFFC180  }
0x16: {  	[hbm4b:s12+s2] =	stream.linear.scatter [tilespmem:s7], [sflag:$0x4], $0x3E80, $0x38;
	[tilespmem:$0x84D0] =	vst v63  }
0x17: {  	s19 =	sadd.s32 $0x7D0, s16;
	_ =	swait.ge [sflag:s8], $0x3E80  }
0x18: {  	s30 =	sshrl.u32 s19, $0x3;
	[sflag:s8] =	ssyncset.done $0x0  }
0x19: {  	s13 =	sadd.s32 s17, s30;
	[sflag:s8] =	ssyncadd.s32 $0xFFFFC180  }
0x1a: {  	[tilespmem:s2], [sflag:$0x4] =	stream.linear.gather [hbm4b:s13+s2], $0x3E8, $0x38;
	[tilespmem:$0x84D0] =	vst v63  }
0x1b: {  	_ =	swait.ge [sflag:s8], $0x3E8  }
0x1c: {  	[sflag:s8] =	ssyncset.done $0x0  }
0x1d: {  	s14 =	simm.s32 $0x2;
	[sflag:s8] =	ssyncadd.s32 $0xFFFFFC18  }
0x1e: {  	[tilespmem:s7], [sflag:$0x1] =	stream.indirect.gather [hbm4b:s5+s6], $0x10, s2, s6, $0xb8;
	[tilespmem:$0x84D0] =	vst v63  }
0x1f: {  	_ =	swait.ge [sflag:s14], $0x3E80  }
0x20: {  	[sflag:s14] =	ssyncset.done $0x0  }
0x21: {  	s15 =	sadd.s32 $0x7D0, s12;
	[sflag:s14] =	ssyncadd.s32 $0xFFFFC180  }
0x22: {  	[hbm4b:s15+s2] =	stream.linear.scatter [tilespmem:s10], [sflag:$0x3], $0x3E80, $0x38;
	[tilespmem:$0x84D0] =	vst v63  }
0x23: {  	s16 =	sadd.s32 $0xBB8, s16;
	_ =	swait.ge [sflag:s4], $0x3E80  }
0x24: {  	s16 =	sshrl.u32 s16, $0x3;
	[sflag:s4] =	ssyncset.done $0x0  }
0x25: {  	s16 =	sadd.s32 s17, s16;
	[sflag:s4] =	ssyncadd.s32 $0xFFFFC180  }
0x26: {  	[tilespmem:s6], [sflag:$0x4] =	stream.linear.gather [hbm4b:s16+s2], $0x3E8, $0x38;
	[tilespmem:$0x84D0] =	vst v63  }
0x27: {  	_ =	swait.ge [sflag:s8], $0x3E8  }
0x28: {  	[sflag:s8] =	ssyncset.done $0x0  }
0x29: {  	[sflag:s8] =	ssyncadd.s32 $0xFFFFFC18  }
0x2a: {  	[tilespmem:s10], [sflag:$0x2] =	stream.indirect.gather [hbm4b:s5+s6], $0x10, s6, s6, $0xb8;
	[tilespmem:$0x84D0] =	vst v63  }
0x2b: {  	_ =	swait.ge [sflag:s11], $0x3E80  }
0x2c: {  	s31 =	sshll.u32 s19, $0x1;
	[sflag:s11] =	ssyncset.done $0x0  }
0x2d: {  	s17 =	sadd.s32 s18, s31;
	[sflag:s11] =	ssyncadd.s32 $0xFFFFC180  }
0x2e: {  	[hbm4b:s17+s2] =	stream.linear.scatter [tilespmem:s7], [sflag:$0x4], $0x3E80, $0x38;
	[tilespmem:$0x84D0] =	vst v63  }
0x2f: {  	_ =	swait.ge [sflag:s8], $0x3E80  }
0x30: {  	[sflag:s8] =	ssyncset.done $0x0  }
0x31: {  	s18 =	sadd.s32 $0x1F4, s3;
	[sflag:s8] =	ssyncadd.s32 $0xFFFFC180  }
0x32: {  	[tilespmem:s2], [sflag:$0x4] =	stream.linear.gather [hbm4b:s18+s2], $0x3E8, $0x38;
	[tilespmem:$0x84D0] =	vst v63  }
0x33: {  	_ =	swait.ge [sflag:s8], $0x3E8  }
0x34: {  	[sflag:s8] =	ssyncset.done $0x0  }
0x35: {  	[sflag:s8] =	ssyncadd.s32 $0xFFFFFC18  }
0x36: {  	[tilespmem:s7], [sflag:$0x1] =	stream.indirect.gather [hbm4b:s5+s6], $0x10, s2, s6, $0xb8;
	[tilespmem:$0x84D0] =	vst v63  }
0x37: {  	_ =	swait.ge [sflag:s14], $0x3E80  }
0x38: {  	[sflag:s14] =	ssyncset.done $0x0  }
0x39: {  	s20 =	ssub.s32 $0x2, s20;
	s19 =	sadd.s32 $0x1770, s12;
	[sflag:s14] =	ssyncadd.s32 $0xFFFFC180  }
0x3a: {  	[hbm4b:s19+s2] =	stream.linear.scatter [tilespmem:s10], [sflag:$0x3], $0x3E80, $0x38;
	[tilespmem:$0x84D0] =	vst v63  }
0x3b: {  	s21 =	sshrl.u32 s20, $0x1;
	_ =	swait.ge [sflag:s4], $0x3E80  }
0x3c: {  	s20 =	ssub.s32 s20, s21;
	[sflag:s4] =	ssyncset.done $0x0  }
0x3d: {  	s21 =	smax.u32 s20, $0x1;
	[sflag:s4] =	ssyncadd.s32 $0xFFFFC180  }
0x3e: {  	p0 =	sne.s32 s21, $0x1;
	_ =	swait.ge [sflag:s11], $0x3E80  }
.Ltmp0:
0x3f: {  	[sflag:s11] =	ssyncset.done $0x0;
	(pc) =	sbr.rel @!p0 .LBB2_2-.Ltmp0, $4  }
0x40: {  	s20 =	sadd.s32 $0x1F40, s12;
	[sflag:s11] =	ssyncadd.s32 $0xFFFFC180  }
0x41: {  	[hbm4b:s20+s2] =	stream.linear.scatter [tilespmem:s7], [sflag:$0x4], $0x3E80, $0x38;
	[tilespmem:$0x84D0] =	vst v63  }
0x42: {  	_ =	swait.ge [sflag:s8], $0x3E80  }
0x43: {  	s21 =	sadd.s32 $0xFFFFFFFF, s21;
	[sflag:s8] =	ssyncset.done $0x0  }
.LBB2_1:
0x44: {  	p0 =	sne.s32 s21, $0x1;
	s21 =	sadd.s32 $0xFFFFFFFF, s21;
	[sflag:s8] =	ssyncadd.s32 $0xFFFFC180  }
0x45: {  	[tilespmem:s2], [sflag:$0x3] =	stream.linear.gather [hbm4b:s3+s2], $0x3E8, $0x38;
	[tilespmem:$0x84D0] =	vst v63  }
0x46: {  	_ =	swait.ge [sflag:s4], $0x3E8  }
0x47: {  	[sflag:s4] =	ssyncset.done $0x0  }
0x48: {  	[sflag:s4] =	ssyncadd.s32 $0xFFFFFC18  }
0x49: {  	[tilespmem:s7], [sflag:$0x1] =	stream.indirect.gather [hbm4b:s5+s6], $0x10, s2, s6, $0xb8;
	[tilespmem:$0x84D0] =	vst v63  }
0x4a: {  	_ = 	snop  }
0x4b: {  	[tilespmem:s6], [sflag:$0x4] =	stream.linear.gather [hbm4b:s9+s2], $0x3E8, $0x38;
	[tilespmem:$0x84D0] =	vst v63  }
0x4c: {  	_ =	swait.ge [sflag:s8], $0x3E8  }
0x4d: {  	[sflag:s8] =	ssyncset.done $0x0  }
0x4e: {  	[sflag:s8] =	ssyncadd.s32 $0xFFFFFC18  }
0x4f: {  	[tilespmem:s10], [sflag:$0x2] =	stream.indirect.gather [hbm4b:s5+s6], $0x10, s6, s6, $0xb8;
	[tilespmem:$0x84D0] =	vst v63  }
0x50: {  	_ =	swait.ge [sflag:s11], $0x3E80  }
0x51: {  	[sflag:s11] =	ssyncset.done $0x0  }
0x52: {  	[sflag:s11] =	ssyncadd.s32 $0xFFFFC180  }
0x53: {  	[hbm4b:s12+s2] =	stream.linear.scatter [tilespmem:s7], [sflag:$0x4], $0x3E80, $0x38;
	[tilespmem:$0x84D0] =	vst v63  }
0x54: {  	_ =	swait.ge [sflag:s8], $0x3E80  }
0x55: {  	[sflag:s8] =	ssyncset.done $0x0  }
0x56: {  	[sflag:s8] =	ssyncadd.s32 $0xFFFFC180  }
0x57: {  	[tilespmem:s2], [sflag:$0x4] =	stream.linear.gather [hbm4b:s13+s2], $0x3E8, $0x38;
	[tilespmem:$0x84D0] =	vst v63  }
0x58: {  	_ =	swait.ge [sflag:s8], $0x3E8  }
0x59: {  	[sflag:s8] =	ssyncset.done $0x0  }
0x5a: {  	[sflag:s8] =	ssyncadd.s32 $0xFFFFFC18  }
0x5b: {  	[tilespmem:s7], [sflag:$0x1] =	stream.indirect.gather [hbm4b:s5+s6], $0x10, s2, s6, $0xb8;
	[tilespmem:$0x84D0] =	vst v63  }
0x5c: {  	_ =	swait.ge [sflag:s14], $0x3E80  }
0x5d: {  	[sflag:s14] =	ssyncset.done $0x0  }
0x5e: {  	[sflag:s14] =	ssyncadd.s32 $0xFFFFC180  }
0x5f: {  	[hbm4b:s15+s2] =	stream.linear.scatter [tilespmem:s10], [sflag:$0x3], $0x3E80, $0x38;
	[tilespmem:$0x84D0] =	vst v63  }
0x60: {  	_ =	swait.ge [sflag:s4], $0x3E80  }
0x61: {  	[sflag:s4] =	ssyncset.done $0x0  }
0x62: {  	[sflag:s4] =	ssyncadd.s32 $0xFFFFC180  }
0x63: {  	[tilespmem:s6], [sflag:$0x4] =	stream.linear.gather [hbm4b:s16+s2], $0x3E8, $0x38;
	[tilespmem:$0x84D0] =	vst v63  }
0x64: {  	_ =	swait.ge [sflag:s8], $0x3E8  }
0x65: {  	[sflag:s8] =	ssyncset.done $0x0  }
0x66: {  	[sflag:s8] =	ssyncadd.s32 $0xFFFFFC18  }
0x67: {  	[tilespmem:s10], [sflag:$0x2] =	stream.indirect.gather [hbm4b:s5+s6], $0x10, s6, s6, $0xb8;
	[tilespmem:$0x84D0] =	vst v63  }
0x68: {  	_ =	swait.ge [sflag:s11], $0x3E80  }
0x69: {  	[sflag:s11] =	ssyncset.done $0x0  }
0x6a: {  	[sflag:s11] =	ssyncadd.s32 $0xFFFFC180  }
0x6b: {  	[hbm4b:s17+s2] =	stream.linear.scatter [tilespmem:s7], [sflag:$0x4], $0x3E80, $0x38;
	[tilespmem:$0x84D0] =	vst v63  }
0x6c: {  	_ =	swait.ge [sflag:s8], $0x3E80  }
0x6d: {  	[sflag:s8] =	ssyncset.done $0x0  }
0x6e: {  	[sflag:s8] =	ssyncadd.s32 $0xFFFFC180  }
0x6f: {  	[tilespmem:s2], [sflag:$0x4] =	stream.linear.gather [hbm4b:s18+s2], $0x3E8, $0x38;
	[tilespmem:$0x84D0] =	vst v63  }
0x70: {  	_ =	swait.ge [sflag:s8], $0x3E8  }
0x71: {  	[sflag:s8] =	ssyncset.done $0x0  }
0x72: {  	[sflag:s8] =	ssyncadd.s32 $0xFFFFFC18  }
0x73: {  	[tilespmem:s7], [sflag:$0x1] =	stream.indirect.gather [hbm4b:s5+s6], $0x10, s2, s6, $0xb8;
	[tilespmem:$0x84D0] =	vst v63  }
0x74: {  	_ =	swait.ge [sflag:s14], $0x3E80  }
0x75: {  	[sflag:s14] =	ssyncset.done $0x0  }
0x76: {  	[sflag:s14] =	ssyncadd.s32 $0xFFFFC180  }
0x77: {  	[hbm4b:s19+s2] =	stream.linear.scatter [tilespmem:s10], [sflag:$0x3], $0x3E80, $0x38;
	[tilespmem:$0x84D0] =	vst v63  }
0x78: {  	_ =	swait.ge [sflag:s4], $0x3E80  }
0x79: {  	[sflag:s4] =	ssyncset.done $0x0  }
0x7a: {  	[sflag:s4] =	ssyncadd.s32 $0xFFFFC180  }
0x7b: {  	_ =	swait.ge [sflag:s11], $0x3E80  }
.Ltmp1:
0x7c: {  	[sflag:s11] =	ssyncset.done $0x0;
	(pc) =	sbr.rel @p0 .LBB2_1-.Ltmp1, $4  }
0x7d: {  	[sflag:s11] =	ssyncadd.s32 $0xFFFFC180  }
0x7e: {  	[hbm4b:s20+s2] =	stream.linear.scatter [tilespmem:s7], [sflag:$0x4], $0x3E80, $0x38;
	[tilespmem:$0x84D0] =	vst v63  }
0x7f: {  	_ =	swait.ge [sflag:s8], $0x3E80  }
0x80: {  	[sflag:s8] =	ssyncset.done $0x0  }
.LBB2_2:
0x81: {  	[sflag:s8] =	ssyncadd.s32 $0xFFFFC180  }
0x82: {  	_ =	sfence.sel $0x180000  }
0x83: {  	[bflag:$0x0] =	sbarrier.arrive $0xFFFF  }
0x84: {  	p0 =	sne.s32 s0, $0x0;
	_ =	strace $0x90000047  }
0x85: {  	s0 =	sadd.s32 @!p0 $0x100000, s1;
	[bflag:$0x2] =	sbarrier.arrive $0xFFFF  }
0x86: {  	[sflag:s0] =	ssyncadd.tile.s32 @!p0 $0x1;
	_ =	shalt  }
.Lfunc_end2:
_tile_overlayer_lowered:
.L_overlay_start_2:
0x87: {  	(tag) =	ssettag $0x2  }
0x88: {  	s0 =	rddreg [dreg:$0x0];
	s2 =	stileid.u32  }
0x89: {  	s1 =	rddreg [dreg:$0x1];
	p0 =	sne.s32 s2, $0x0  }
0x8a: {  	s3 =	rddreg [dreg:$0x2];
	[bflag:$0x3] =	sbarrier.arrive $0xFFFF;
	s2 =	simm.s32 @!p0 $0x1C03  }
0x8b: {  	[timem:s3], [sflag:s2] =	dma.local @!p0 [hbm:s0], s1  }
0x8c: {  	s0 =	simm.s32 @!p0 $0x3  }
0x8d: {  	_ =	swait.ge @!p0 [sflag:s0], s1  }
0x8e: {  	s1 =	ssub.s32 @!p0 $0x0, s1;
	[sflag:s0] =	ssyncset.done @!p0 $0x0  }
0x8f: {  	[sflag:s0] =	ssyncadd.s32 @!p0 s1  }
0x90: {  	[bflag:$0x3] =	sbarrier.arrive $0xFFFF  }
0x91: {  	_ =	shalt  }

// kernel: kernel.14.cloned.1.call-start
scs
__scs_entry_jumppad:
0x0: {  	(pc) =	sbr.rel $0x88, $3  }
0x1: {  	(tag) =	ssettag $0x0;
	lr =	simm.s32 $0x1  }
0x2: {  	[smem:$0x3F9B] =	sst lr;
	_ =	strace $0xD0000000  }
0x3: {  	_ = 	snop  }
0x4: {  	_ = 	snop  }
0x5: {  	_ = 	snop  }
0x6: {  	_ = 	snop  }
0x7: {  	_ = 	snop  }
__scs_overlays_trampoline_lowered:
0x8: {  	[smem:$0x3FAA] =	sst s0  }
0x9: {  	[smem:$0x3FAB] =	sst s1  }
0xa: {  	[smem:$0x3FAC] =	sst s2  }
0xb: {  	[smem:$0x3FAD] =	sst s3  }
0xc: {  	[smem:$0x3FAE] =	sst s4  }
0xd: {  	[smem:$0x3FAF] =	sst s5  }
0xe: {  	[smem:$0x3FB0] =	sst s6  }
0xf: {  	[smem:$0x3FB1] =	sst s7  }
0x10: {  	[smem:$0x3FB2] =	sst s8  }
0x11: {  	[smem:$0x3FB3] =	sst s9;
	s0 =	simm.s32 @!p0 $0x0  }
0x12: {  	s1 =	sld [smem:$0x3F99];
	s0 =	simm.s32 @p0 $0x1  }
0x13: {  	[smem:$0x3FB4] =	sst s0;
	s0 =	simm.s32 @!p1 $0x0  }
0x14: {  	s2 =	sld [smem:$0x3F98];
	s0 =	simm.s32 @p1 $0x1  }
0x15: {  	[smem:$0x3FB5] =	sst s0;
	s0 =	simm.s32 @!p2 $0x0  }
0x16: {  	s3 =	sld [smem:$0x3FDB];
	s0 =	simm.s32 @p2 $0x1  }
0x17: {  	s4 =	simm.s32 $0x1BF5;
	[smem:$0x3FB7] =	sst s0  }
0x18: {  	s0 =	sld [smem:$0x3F9A];
	_ =	swait.ge [sflag:s4], $0x0  }
0x19: {  	s7 =	sld [smem:$0x3F9B]  }
0x1a: {  	s8 =	sadd.s32 $0xFFFFE003, lr  }
0x1b: {  	s9 =	sadd.s32 $0xFFFFFEF7, lr;
	s5 =	simm.s32 $0xFFFFFFFF;
	p2 =	slt.u32 s8, $0xFFFFF086  }
0x1c: {  	p1 =	slt.u32 s9, $0xF7A;
	s5 =	simm.s32 @!p2 $0x0  }
0x1d: {  	s5 =	simm.s32 @p1 $0x1;
	p0 =	seq.s32 s7, s2  }
0x1e: {  	s7 =	smul.u32 @!p0 $0xF7A, s2;
	p2 =	seq.s32 @!p0 s5, $0x0  }
0x1f: {  	s9 =	smul.u32 $0xF7A, s1;
	s8 =	simm.s32 @!p0 $0x1BF5;
	p2 =	por !p2, p0  }
0x20: {  	[sflag:s8] =	ssyncset.s32 @!p0 $0xFFFFF086;
	s6 =	sadd.s32 @!p0 s3, s7;
	s7 =	simm.s32 @!p0 $0x108  }
0x21: {  	s3 =	sadd.s32 s3, s9;
	s6 =	sadd.s32 @!p0 $0x88, s6;
	s7 =	simm.s32 @p2 $0x1082  }
0x22: {  	[simem:s7], [sflag:s8] =	dma.local @!p0 [hbm:s6], $0xF7A  }
0x23: {  	s9 =	sor.u32 $0xD0000000, s2;
	s6 =	simm.s32 $0x108;
	_ =	swait.ge @!p0 [sflag:s8], $0x0  }
0x24: {  	s3 =	sadd.s32 $0x88, s3;
	s6 =	simm.s32 @!p1 $0x1082;
	[sflag:s4] =	ssyncset.s32 $0xFFFFF086  }
0x25: {  	[simem:s6], [sflag:s4] =	dma.local [hbm:s3], $0xF7A  }
0x26: {  	[smem:$0x3F9B] =	sst s1;
	(tag) =	ssettag s2;
	_ =	strace s9  }
0x27: {  	s1 =	sld [smem:$0x3FAB]  }
0x28: {  	s2 =	sld [smem:$0x3FAC]  }
0x29: {  	s4 =	sld [smem:$0x3FAE]  }
0x2a: {  	p0 =	seq.s32 s5, $0x0;
	s5 =	sld [smem:$0x3FAF]  }
0x2b: {  	s6 =	sld [smem:$0x3FB0]  }
0x2c: {  	s7 =	sld [smem:$0x3FB1]  }
0x2d: {  	s3 =	simm.s32 $0x108;
	s8 =	sld [smem:$0x3FB2]  }
0x2e: {  	s3 =	simm.s32 @!p0 $0x1082;
	s9 =	sld [smem:$0x3FB3]  }
0x2f: {  	lr =	sadd.s32 s0, s3;
	s0 =	sld [smem:$0x3FAA]  }
0x30: {  	s3 =	sld [smem:$0x3FAD]  }
0x31: {  	[smem:$0x3FB6] =	sst s10  }
0x32: {  	s10 =	sld [smem:$0x3FB4];
	_ =	sdelay $0x3  }
0x33: {  	p0 =	seq.s32 s10, $0x1;
	s10 =	sld [smem:$0x3FB6];
	_ =	sdelay $0x3  }
0x34: {  	[smem:$0x3FB6] =	sst s10  }
0x35: {  	s10 =	sld [smem:$0x3FB5];
	_ =	sdelay $0x3  }
0x36: {  	p1 =	seq.s32 s10, $0x1;
	s10 =	sld [smem:$0x3FB6];
	_ =	sdelay $0x3  }
0x37: {  	[smem:$0x3FB6] =	sst s10  }
0x38: {  	s10 =	sld [smem:$0x3FB7]  }
0x39: {  	_ = 	snop;
	(pc) =	sbr.ind lr, $3  }
0x3a: {  	_ = 	snop  }
0x3b: {  	_ = 	snop  }
0x3c: {  	p2 =	seq.s32 s10, $0x1;
	s10 =	sld [smem:$0x3FB6]  }
0x3d: {  	_ =	shalt  }
0x3e: {  	_ =	shalt  }
0x3f: {  	_ =	shalt  }
0x40: {  	_ =	shalt  }
0x41: {  	_ =	shalt  }
0x42: {  	_ =	shalt  }
0x43: {  	_ =	shalt  }
0x44: {  	_ =	shalt  }
0x45: {  	_ =	shalt  }
0x46: {  	_ =	shalt  }
0x47: {  	_ =	shalt  }
0x48: {  	_ =	shalt  }
0x49: {  	_ =	shalt  }
0x4a: {  	_ =	shalt  }
0x4b: {  	_ =	shalt  }
0x4c: {  	_ =	shalt  }
0x4d: {  	_ =	shalt  }
0x4e: {  	_ =	shalt  }
0x4f: {  	_ =	shalt  }
0x50: {  	_ =	shalt  }
0x51: {  	_ =	shalt  }
0x52: {  	_ =	shalt  }
0x53: {  	_ =	shalt  }
0x54: {  	_ =	shalt  }
0x55: {  	_ =	shalt  }
0x56: {  	_ =	shalt  }
0x57: {  	_ =	shalt  }
0x58: {  	_ =	shalt  }
0x59: {  	_ =	shalt  }
0x5a: {  	_ =	shalt  }
0x5b: {  	_ =	shalt  }
0x5c: {  	_ =	shalt  }
0x5d: {  	_ =	shalt  }
0x5e: {  	_ =	shalt  }
0x5f: {  	_ =	shalt  }
0x60: {  	_ =	shalt  }
0x61: {  	_ =	shalt  }
0x62: {  	_ =	shalt  }
0x63: {  	_ =	shalt  }
0x64: {  	_ =	shalt  }
0x65: {  	_ =	shalt  }
0x66: {  	_ =	shalt  }
0x67: {  	_ =	shalt  }
0x68: {  	_ =	shalt  }
0x69: {  	_ =	shalt  }
0x6a: {  	_ =	shalt  }
0x6b: {  	_ =	shalt  }
0x6c: {  	_ =	shalt  }
0x6d: {  	_ =	shalt  }
0x6e: {  	_ =	shalt  }
0x6f: {  	_ =	shalt  }
0x70: {  	_ =	shalt  }
0x71: {  	_ =	shalt  }
0x72: {  	_ =	shalt  }
0x73: {  	_ =	shalt  }
0x74: {  	_ =	shalt  }
0x75: {  	_ =	shalt  }
0x76: {  	_ =	shalt  }
0x77: {  	_ =	shalt  }
0x78: {  	_ =	shalt  }
0x79: {  	_ =	shalt  }
0x7a: {  	_ =	shalt  }
0x7b: {  	_ =	shalt  }
0x7c: {  	_ =	shalt  }
0x7d: {  	_ =	shalt  }
0x7e: {  	_ =	shalt  }
0x7f: {  	_ =	shalt  }
0x80: {  	_ =	shalt  }
0x81: {  	_ =	shalt  }
0x82: {  	_ =	shalt  }
0x83: {  	_ =	shalt  }
0x84: {  	_ =	shalt  }
0x85: {  	_ =	shalt  }
0x86: {  	_ =	shalt  }
0x87: {  	_ =	shalt  }
.Lfunc_end0:
.L_simem_size_0:
called_computation.2_lowered:
.L_overlay_start_0:
0x88: {  	s2 =	sld [smem:$0x3FD9]  }
0x89: {  	s3 =	sld [smem:$0x3FFE];
	_ =	sdelay $0x1  }
0x8a: {  	s1 =	srdreg.scid  }
0x8b: {  	s0 =	sand.u32 $0x1, s1  }
0x8c: {  	s17 =	sshll.u32 s0, $0xA;
	s2 =	sadd.s32 s3, s2  }
0x8d: {  	s2 =	sadd.s32 s2, s17  }
0x8e: {  	[smem:$0x3FC2] =	sst s2  }
0x8f: {  	_ = 	snop  }
0x90: {  	s18 =	sld [smem:$0x3FC6]  }
0x91: {  	s4 =	sld [smem:$0x3FD0];
	(tm) =	ssettm $0x1  }
0x92: {  	s19 =	sld [smem:$0x3FFB];
	_ =	sdelay $0x3  }
0x93: {  	_ =	strace s19  }
0x94: {  	s2 =	sld [smem:$0x3FFC];
	_ =	sdelay $0x3  }
0x95: {  	_ =	strace s2  }
0x96: {  	s2 =	sld [smem:$0x3FFD];
	_ =	sdelay $0x3  }
0x97: {  	_ =	strace s2  }
0x98: {  	_ =	strace $0x8FFFFFFF  }
0x99: {  	s20 =	sld [smem:$0x3FDB];
	_ =	sdelay $0x1  }
0x9a: {  	s5 =	simm.s32 $_scs_section_size  }
0x9b: {  	s6 =	simm.s32 $_size__tile_overlayer_lowered;
	s7 =	simm.s32 $_tile_overlayer_lowered  }
0x9c: {  	s8 =	simm.s32 $0x1BFF;
	s21 =	sshll.u32 s7, $0x1;
	s5 =	sadd.s32 s5, s20  }
0x9d: {  	s22 =	simm.s32 $0x0;
	s6 =	sshll.u32 s6, $0x1;
	s7 =	sadd.s32 s21, s5  }
0x9e: {  	[timem:s22], [sflag:s8] =	dma.local [hbm:s7], s6  }
0x9f: {  	_ =	swait.ge [sflag:s8], s6  }
0xa0: {  	s6 =	ssub.s32 $0x0, s6;
	[sflag:s8] =	ssyncset.done $0x0  }
0xa1: {  	[sflag:s8] =	ssyncadd.s32 s6;
	_ =	sdelay $0x1  }
0xa2: {  	s23 =	simm.s32 $0x1B8B  }
0xa3: {  	_ =	swait.ge [sflag:s23], $0x1  }
0xa4: {  	[sflag:s23] =	ssyncset.done $0x0  }
0xa5: {  	[sflag:s23] =	ssyncadd.s32 $0xFFFFFFFF  }
0xa6: {  	s6 =	sld [smem:$0x0]  }
0xa7: {  	s7 =	sand.u32 $0xFFFFFFFE, s1  }
0xa8: {  	p0 =	sne.s32 s1, s7  }
0xa9: {  	s7 =	sshll.u32 @p0 s7, $0xE  }
0xaa: {  	s7 =	sadd.s32 @p0 $0x11B8D, s7;
	s8 =	sshll.u32 @p0 s6, $0x11  }
0xab: {  	s7 =	sor.u32 @p0 s8, s7  }
0xac: {  	[sflag:s7] =	ssyncadd.remote.s32 @p0 $0x1;
	_ =	sdelay $0x1  }
0xad: {  	s7 =	simm.s32 @p0 $0x1B8D  }
0xae: {  	_ =	swait.eq @p0 [sflag:s7], $0x1  }
0xaf: {  	[sflag:s7] =	ssyncadd.s32 @p0 $0xFFFFFFFF  }
0xb0: {  	s8 =	sshll.u32 @!p0 s1, $0xE  }
0xb1: {  	s8 =	sor.u32 @!p0 $0x4000, s8;
	s7 =	simm.s32 @!p0 $0x1B8D  }
0xb2: {  	s6 =	sshll.u32 @!p0 s6, $0x11;
	s8 =	sadd.s32 @!p0 $0x11B8D, s8;
	_ =	swait.eq @!p0 [sflag:s7], $0x1  }
0xb3: {  	s6 =	sor.u32 @!p0 s6, s8;
	[sflag:s7] =	ssyncadd.s32 @!p0 $0xFFFFFFFF  }
0xb4: {  	s25 =	simm.s32 $0x1B8E;
	s24 =	sld [smem:$0x3FFE];
	[sflag:s6] =	ssyncadd.remote.s32 @!p0 $0x1  }
0xb5: {  	s26 =	simm.s32 $execute0_lowered;
	[smem:$0x3FD2] =	sst s25  }
0xb6: {  	s7 =	sshll.u32 s26, $0x1;
	_ =	strace $0x8000004F;
	[dreg:$0x1] =	wrdreg $0xFFFFFFFF  }
0xb7: {  	s28 =	simm.s32 $_size_execute0_lowered;
	s5 =	sadd.s32 s5, s7;
	[dreg:$0x0] =	wrdreg $0x0  }
0xb8: {  	s7 =	sshll.u32 s28, $0x1;
	[dreg:$0x2] =	wrdreg s5  }
0xb9: {  	[dreg:$0x3] =	wrdreg s7  }
0xba: {  	[dreg:$0x4] =	wrdreg $0xC0  }
0xbb: {  	_ =	task [dreg:s22], $0x5FFFF  }
0xbc: {  	[dreg:$0x1] =	wrdreg $0xFFFFFFFF  }
0xbd: {  	[dreg:$0x0] =	wrdreg $0x60  }
0xbe: {  	[dreg:$0x2] =	wrdreg s18  }
0xbf: {  	[dreg:$0x3] =	wrdreg s4  }
0xc0: {  	[dreg:$0x4] =	wrdreg s24  }
0xc1: {  	[dreg:$0x5] =	wrdreg $0xB  }
0xc2: {  	_ =	task.clear_ibuf [dreg:s22], $0x6FFFF;
	_ =	strace $0x9000004F  }
0xc3: {  	s29 =	simm.s32 $0xB;
	_ =	strace $0x80000051  }
0xc4: {  	_ =	swait.ge [sflag:s29], $0x1  }
0xc5: {  	[sflag:s29] =	ssyncadd.s32 $0xFFFFFFFF  }
0xc6: {  	_ =	strace $0x90000051  }
0xc7: {  	_ =	sfence  }
0xc8: {  	s30 =	sld [smem:$0x0];
	_ =	sdelay $0x2  }
0xc9: {  	s31 =	sshll.u32 s1, $0xD;
	s1 =	sshrl.u32 s1, $0x2  }
0xca: {  	s4 =	sand.u32 $0x4000, s31;
	s1 =	sadd.s32 s1, s30  }
0xcb: {  	s0 =	sor.u32 s4, s0;
	s1 =	sshll.u32 s1, $0x11  }
0xcc: {  	s0 =	sor.u32 s1, s0  }
0xcd: {  	s0 =	sadd.s32 $0x8F2B, s0  }
0xce: {  	[sflag:s0] =	ssyncadd.remote.s32 $0x1  }
0xcf: {  	_ =	sfence.sel $0xFFFF  }
0xd0: {  	[dreg:$0x0] =	wrdreg $0xFFFFFFFF;
	(pc) =	sbr.abs _section_cstart, $3  }
0xd1: {  	[dreg:$0x1] =	wrdreg $0xFFFFFFFF  }
0xd2: {  	_ =	task.clear_ibuf [dreg:s22], $0x2FFFF;
	_ =	strace $0x9FFFFFFF  }
0xd3: {  	(tm) =	ssettm $0x7FFFFFFF  }
tec
execute0_lowered:
.L_overlay_start_1:
0x0: {  	(tag) =	ssettag $0x1  }
0x1: {  	s1 =	rddreg [dreg:$0x0]  }
0x2: {  	s3 =	rddreg [dreg:$0x1];
	s2 =	srdreg.scid  }
0x3: {  	s0 =	stileid.u32;
	s5 =	rddreg [dreg:$0x2]  }
0x4: {  	s4 =	simm.s32 $0x0;
	s14 =	simm.s32 $0x100;
	s15 =	simm.s32 $0x4  }
0x5: {  	s16 =	simm.s32 $0x6600;
	s17 =	simm.s32 $0x1;
	s18 =	simm.s32 $0x2  }
0x6: {  	s19 =	simm.s32 $0x0;
	s7 =	sand.u32 $0x1, s2;
	s11 =	smul.u32 $0x2710, s0  }
0x7: {  	s6 =	sshll.u32 s0, $0x1;
	s2 =	rddreg [dreg:$0x3];
	s29 =	smul.u32 $0x27100, s0  }
0x8: {  	[smem:$0x7FF] =	sst s4;
	s10 =	sadd.s32 $0x319200, s5;
	s12 =	smul.u32 $0x1388, s7  }
0x9: {  	s6 =	sor.u32 s7, s6;
	s26 =	ssub.s32 $0x2, s7;
	s13 =	smul.u32 $0x13880, s7  }
0xa: {  	_ =	strace $0x80000050;
	s8 =	smul.u32 $0x1388, s6;
	s28 =	sshrl.u32 s26, $0x1  }
0xb: {  	s9 =	smul.u32 $0x13880, s6;
	s6 =	ssub.s32 s26, s28;
	s11 =	sadd.s32 s12, s11  }
0xc: {  	s12 =	simm.s32 $0xC8;
	s8 =	sshrl.u32 s8, $0x3;
	s6 =	smax.u32 s6, $0x1  }
0xd: {  	s30 =	sadd.s32 s10, s9;
	s31 =	sadd.s32 $0xC8, s11;
	s5 =	sadd.s32 s3, s8  }
0xe: {  	s8 =	sadd.s32 s29, s10;
	s7 =	sadd.s32 $0x12C00, s30;
	s9 =	sshrl.u32 s31, $0x3  }
0xf: {  	s10 =	sadd.s32 $0x190, s11;
	s11 =	simm.s32 $0x3;
	s8 =	sadd.s32 s13, s8  }
0x10: {  	s9 =	sadd.s32 s9, s3;
	s13 =	simm.s32 $0x200;
	s8 =	sadd.s32 $0xC80, s8  }
.LBB2_1:
0x11: {  	[tilespmem:s4], [sflag:$0x3] =	stream.linear.gather [hbm4b:s5+s4], $0xC8, $0x38;
	[tilespmem:$0xCA00] =	vst v63  }
0x12: {  	_ =	swait.ge [sflag:s11], $0xC8  }
0x13: {  	[sflag:s11] =	ssyncset.done $0x0  }
0x14: {  	[sflag:s11] =	ssyncadd.s32 $0xFFFFFF38  }
0x15: {  	[tilespmem:s13], [sflag:$0x1] =	stream.indirect.gather [hbm4b:s1+s12], $0x80, s4, s12, $0xb8;
	[tilespmem:$0xCA00] =	vst v63  }
0x16: {  	s20 =	sadd.s32 $0x0, s9  }
0x17: {  	[tilespmem:s14], [sflag:$0x4] =	stream.linear.gather [hbm4b:s20+s4], $0xC8, $0x38;
	[tilespmem:$0xCA00] =	vst v63  }
0x18: {  	_ =	swait.ge [sflag:s15], $0xC8  }
0x19: {  	[sflag:s15] =	ssyncset.done $0x0  }
0x1a: {  	[sflag:s15] =	ssyncadd.s32 $0xFFFFFF38  }
0x1b: {  	[tilespmem:s16], [sflag:$0x2] =	stream.indirect.gather [hbm4b:s1+s12], $0x80, s14, s12, $0xb8;
	[tilespmem:$0xCA00] =	vst v63  }
0x1c: {  	_ =	swait.ge [sflag:s17], $0x6400  }
0x1d: {  	[sflag:s17] =	ssyncset.done $0x0  }
0x1e: {  	s30 =	sadd.s32 $0xFFFFF380, s8;
	[sflag:s17] =	ssyncadd.s32 $0xFFFF9C00  }
0x1f: {  	[hbm4b:s30+s4] =	stream.linear.scatter [tilespmem:s13], [sflag:$0x4], $0x6400, $0x38;
	[tilespmem:$0xCA00] =	vst v63  }
0x20: {  	_ =	swait.ge [sflag:s15], $0x6400  }
0x21: {  	s31 =	sshrl.u32 s10, $0x3;
	[sflag:s15] =	ssyncset.done $0x0  }
0x22: {  	s20 =	sadd.s32 s3, s31;
	[sflag:s15] =	ssyncadd.s32 $0xFFFF9C00  }
0x23: {  	[tilespmem:s4], [sflag:$0x4] =	stream.linear.gather [hbm4b:s20+s4], $0xC8, $0x38;
	[tilespmem:$0xCA00] =	vst v63  }
0x24: {  	_ =	swait.ge [sflag:s15], $0xC8  }
0x25: {  	[sflag:s15] =	ssyncset.done $0x0  }
0x26: {  	[sflag:s15] =	ssyncadd.s32 $0xFFFFFF38  }
0x27: {  	[tilespmem:s13], [sflag:$0x1] =	stream.indirect.gather [hbm4b:s1+s12], $0x80, s4, s12, $0xb8;
	[tilespmem:$0xCA00] =	vst v63  }
0x28: {  	_ =	swait.ge [sflag:s18], $0x6400  }
0x29: {  	[sflag:s18] =	ssyncset.done $0x0  }
0x2a: {  	[sflag:s18] =	ssyncadd.s32 $0xFFFF9C00  }
0x2b: {  	[hbm4b:s8+s4] =	stream.linear.scatter [tilespmem:s16], [sflag:$0x3], $0x6400, $0x38;
	[tilespmem:$0xCA00] =	vst v63  }
0x2c: {  	s22 =	simm.s32 $0x32;
	s23 =	simm.s32 $0x64;
	_ =	swait.ge [sflag:s11], $0x6400  }
0x2d: {  	s21 =	sadd.s32 $0x190, s10;
	s20 =	sadd.s32 $0x1900, s8;
	[sflag:s11] =	ssyncset.done $0x0  }
.LBB2_2:
0x2e: {  	s24 =	sadd.s32 s22, s9  }
0x2f: {  	[sflag:s11] =	ssyncadd.s32 $0xFFFF9C00;
	s22 =	smov.u32 s23;
	s25 =	sadd.s32 $0x32, s23  }
0x30: {  	[tilespmem:s14], [sflag:$0x4] =	stream.linear.gather [hbm4b:s24+s4], $0xC8, $0x38;
	[tilespmem:$0xCA00] =	vst v63  }
0x31: {  	p0 =	sne.s32 s23, $0x226;
	_ =	swait.ge [sflag:s15], $0xC8  }
0x32: {  	[sflag:s15] =	ssyncset.done $0x0  }
0x33: {  	[sflag:s15] =	ssyncadd.s32 $0xFFFFFF38  }
0x34: {  	[tilespmem:s16], [sflag:$0x2] =	stream.indirect.gather [hbm4b:s1+s12], $0x80, s14, s12, $0xb8;
	[tilespmem:$0xCA00] =	vst v63  }
0x35: {  	_ =	swait.ge [sflag:s17], $0x6400  }
0x36: {  	[sflag:s17] =	ssyncset.done $0x0  }
0x37: {  	s23 =	sadd.s32 $0xFFFFF380, s20;
	[sflag:s17] =	ssyncadd.s32 $0xFFFF9C00  }
0x38: {  	[hbm4b:s23+s4] =	stream.linear.scatter [tilespmem:s13], [sflag:$0x4], $0x6400, $0x38;
	[tilespmem:$0xCA00] =	vst v63  }
0x39: {  	_ =	swait.ge [sflag:s15], $0x6400  }
0x3a: {  	s23 =	sshrl.u32 s21, $0x3;
	[sflag:s15] =	ssyncset.done $0x0  }
0x3b: {  	s23 =	sadd.s32 s3, s23;
	[sflag:s15] =	ssyncadd.s32 $0xFFFF9C00  }
0x3c: {  	[tilespmem:s4], [sflag:$0x4] =	stream.linear.gather [hbm4b:s23+s4], $0xC8, $0x38;
	[tilespmem:$0xCA00] =	vst v63  }
0x3d: {  	_ =	swait.ge [sflag:s15], $0xC8  }
0x3e: {  	[sflag:s15] =	ssyncset.done $0x0  }
0x3f: {  	[sflag:s15] =	ssyncadd.s32 $0xFFFFFF38  }
0x40: {  	[tilespmem:s13], [sflag:$0x1] =	stream.indirect.gather [hbm4b:s1+s12], $0x80, s4, s12, $0xb8;
	[tilespmem:$0xCA00] =	vst v63  }
0x41: {  	_ =	swait.ge [sflag:s18], $0x6400  }
.Ltmp0:
0x42: {  	[sflag:s18] =	ssyncset.done $0x0;
	(pc) =	sbr.rel @p0 .LBB2_2-.Ltmp0, $4  }
0x43: {  	[sflag:s18] =	ssyncadd.s32 $0xFFFF9C00  }
0x44: {  	[hbm4b:s20+s4] =	stream.linear.scatter [tilespmem:s16], [sflag:$0x3], $0x6400, $0x38;
	[tilespmem:$0xCA00] =	vst v63  }
0x45: {  	s21 =	sadd.s32 $0x190, s21;
	_ =	swait.ge [sflag:s11], $0x6400  }
0x46: {  	s23 =	smov.u32 s25;
	s20 =	sadd.s32 $0x1900, s20;
	[sflag:s11] =	ssyncset.done $0x0  }
0x47: {  	s22 =	sadd.s32 s22, s9;
	[sflag:s11] =	ssyncadd.s32 $0xFFFF9C00  }
0x48: {  	[tilespmem:s14], [sflag:$0x4] =	stream.linear.gather [hbm4b:s22+s4], $0xC8, $0x38;
	[tilespmem:$0xCA00] =	vst v63  }
0x49: {  	_ =	swait.ge [sflag:s15], $0xC8  }
0x4a: {  	[sflag:s15] =	ssyncset.done $0x0  }
0x4b: {  	[sflag:s15] =	ssyncadd.s32 $0xFFFFFF38  }
0x4c: {  	[tilespmem:s16], [sflag:$0x2] =	stream.indirect.gather [hbm4b:s1+s12], $0x80, s14, s12, $0xb8;
	[tilespmem:$0xCA00] =	vst v63  }
0x4d: {  	_ =	swait.ge [sflag:s17], $0x6400  }
0x4e: {  	[sflag:s17] =	ssyncset.done $0x0  }
0x4f: {  	s31 =	sadd.s32 $0xFFFFF380, s20;
	[sflag:s17] =	ssyncadd.s32 $0xFFFF9C00  }
0x50: {  	[hbm4b:s31+s4] =	stream.linear.scatter [tilespmem:s13], [sflag:$0x4], $0x6400, $0x38;
	[tilespmem:$0xCA00] =	vst v63  }
0x51: {  	_ =	swait.ge [sflag:s15], $0x6400  }
0x52: {  	s21 =	sshrl.u32 s21, $0x3;
	[sflag:s15] =	ssyncset.done $0x0  }
0x53: {  	s21 =	sadd.s32 s3, s21;
	[sflag:s15] =	ssyncadd.s32 $0xFFFF9C00  }
0x54: {  	[tilespmem:s4], [sflag:$0x4] =	stream.linear.gather [hbm4b:s21+s4], $0xC8, $0x38;
	[tilespmem:$0xCA00] =	vst v63  }
0x55: {  	_ =	swait.ge [sflag:s15], $0xC8  }
0x56: {  	[sflag:s15] =	ssyncset.done $0x0  }
0x57: {  	[sflag:s15] =	ssyncadd.s32 $0xFFFFFF38  }
0x58: {  	[tilespmem:s13], [sflag:$0x1] =	stream.indirect.gather [hbm4b:s1+s12], $0x80, s4, s12, $0xb8;
	[tilespmem:$0xCA00] =	vst v63  }
0x59: {  	_ =	swait.ge [sflag:s18], $0x6400  }
0x5a: {  	[sflag:s18] =	ssyncset.done $0x0  }
0x5b: {  	[sflag:s18] =	ssyncadd.s32 $0xFFFF9C00  }
0x5c: {  	[hbm4b:s20+s4] =	stream.linear.scatter [tilespmem:s16], [sflag:$0x3], $0x6400, $0x38;
	[tilespmem:$0xCA00] =	vst v63  }
0x5d: {  	_ =	swait.ge [sflag:s11], $0x6400  }
0x5e: {  	[sflag:s11] =	ssyncset.done $0x0  }
0x5f: {  	[sflag:s11] =	ssyncadd.s32 $0xFFFF9C00  }
0x60: {  	s19 =	sadd.s32 $0x1, s19;
	_ =	swait.ge [sflag:s17], $0x6400  }
0x61: {  	p0 =	sne.s32 s19, s6;
	[sflag:s17] =	ssyncset.done $0x0  }
.Ltmp1:
0x62: {  	[sflag:s17] =	ssyncadd.s32 $0xFFFF9C00;
	(pc) =	sbr.rel @p0 .LBB2_1-.Ltmp1, $4  }
0x63: {  	[hbm4b:s7+s4] =	stream.linear.scatter [tilespmem:s13], [sflag:$0x4], $0x6400, $0x38;
	[tilespmem:$0xCA00] =	vst v63  }
0x64: {  	_ =	swait.ge [sflag:s15], $0x6400  }
0x65: {  	[sflag:s15] =	ssyncset.done $0x0  }
0x66: {  	[sflag:s15] =	ssyncadd.s32 $0xFFFF9C00  }
0x67: {  	_ =	sfence.sel $0x180000  }
0x68: {  	[bflag:$0x0] =	sbarrier.arrive $0xFFFF  }
0x69: {  	p0 =	sne.s32 s0, $0x0;
	_ =	strace $0x90000050  }
0x6a: {  	s0 =	sadd.s32 @!p0 $0x100000, s2;
	[bflag:$0x2] =	sbarrier.arrive $0xFFFF  }
0x6b: {  	[sflag:s0] =	ssyncadd.tile.s32 @!p0 $0x1;
	_ =	shalt  }
.Lfunc_end2:
_tile_overlayer_lowered:
.L_overlay_start_2:
0x6c: {  	(tag) =	ssettag $0x2  }
0x6d: {  	s0 =	rddreg [dreg:$0x0];
	s2 =	stileid.u32  }
0x6e: {  	s1 =	rddreg [dreg:$0x1];
	p0 =	sne.s32 s2, $0x0  }
0x6f: {  	s3 =	rddreg [dreg:$0x2];
	[bflag:$0x3] =	sbarrier.arrive $0xFFFF;
	s2 =	simm.s32 @!p0 $0x1C03  }
0x70: {  	[timem:s3], [sflag:s2] =	dma.local @!p0 [hbm:s0], s1  }
0x71: {  	s0 =	simm.s32 @!p0 $0x3  }
0x72: {  	_ =	swait.ge @!p0 [sflag:s0], s1  }
0x73: {  	s1 =	ssub.s32 @!p0 $0x0, s1;
	[sflag:s0] =	ssyncset.done @!p0 $0x0  }
0x74: {  	[sflag:s0] =	ssyncadd.s32 @!p0 s1  }
0x75: {  	[bflag:$0x3] =	sbarrier.arrive $0xFFFF  }
0x76: {  	_ =	shalt  }

// kernel: kernel.17.cloned.1.call-start
scs
__scs_entry_jumppad:
0x0: {  	(pc) =	sbr.rel $0x88, $3  }
0x1: {  	(tag) =	ssettag $0x0;
	lr =	simm.s32 $0x1  }
0x2: {  	[smem:$0x3F9B] =	sst lr;
	_ =	strace $0xD0000000  }
0x3: {  	_ = 	snop  }
0x4: {  	_ = 	snop  }
0x5: {  	_ = 	snop  }
0x6: {  	_ = 	snop  }
0x7: {  	_ = 	snop  }
__scs_overlays_trampoline_lowered:
0x8: {  	[smem:$0x3FAA] =	sst s0  }
0x9: {  	[smem:$0x3FAB] =	sst s1  }
0xa: {  	[smem:$0x3FAC] =	sst s2  }
0xb: {  	[smem:$0x3FAD] =	sst s3  }
0xc: {  	[smem:$0x3FAE] =	sst s4  }
0xd: {  	[smem:$0x3FAF] =	sst s5  }
0xe: {  	[smem:$0x3FB0] =	sst s6  }
0xf: {  	[smem:$0x3FB1] =	sst s7  }
0x10: {  	[smem:$0x3FB2] =	sst s8  }
0x11: {  	[smem:$0x3FB3] =	sst s9;
	s0 =	simm.s32 @!p0 $0x0  }
0x12: {  	s1 =	sld [smem:$0x3F99];
	s0 =	simm.s32 @p0 $0x1  }
0x13: {  	[smem:$0x3FB4] =	sst s0;
	s0 =	simm.s32 @!p1 $0x0  }
0x14: {  	s2 =	sld [smem:$0x3F98];
	s0 =	simm.s32 @p1 $0x1  }
0x15: {  	[smem:$0x3FB5] =	sst s0;
	s0 =	simm.s32 @!p2 $0x0  }
0x16: {  	s3 =	sld [smem:$0x3FDB];
	s0 =	simm.s32 @p2 $0x1  }
0x17: {  	s4 =	simm.s32 $0x1BF5;
	[smem:$0x3FB7] =	sst s0  }
0x18: {  	s0 =	sld [smem:$0x3F9A];
	_ =	swait.ge [sflag:s4], $0x0  }
0x19: {  	s7 =	sld [smem:$0x3F9B]  }
0x1a: {  	s8 =	sadd.s32 $0xFFFFE003, lr  }
0x1b: {  	s9 =	sadd.s32 $0xFFFFFEF7, lr;
	s5 =	simm.s32 $0xFFFFFFFF;
	p2 =	slt.u32 s8, $0xFFFFF086  }
0x1c: {  	p1 =	slt.u32 s9, $0xF7A;
	s5 =	simm.s32 @!p2 $0x0  }
0x1d: {  	s5 =	simm.s32 @p1 $0x1;
	p0 =	seq.s32 s7, s2  }
0x1e: {  	s7 =	smul.u32 @!p0 $0xF7A, s2;
	p2 =	seq.s32 @!p0 s5, $0x0  }
0x1f: {  	s9 =	smul.u32 $0xF7A, s1;
	s8 =	simm.s32 @!p0 $0x1BF5;
	p2 =	por !p2, p0  }
0x20: {  	[sflag:s8] =	ssyncset.s32 @!p0 $0xFFFFF086;
	s6 =	sadd.s32 @!p0 s3, s7;
	s7 =	simm.s32 @!p0 $0x108  }
0x21: {  	s3 =	sadd.s32 s3, s9;
	s6 =	sadd.s32 @!p0 $0x88, s6;
	s7 =	simm.s32 @p2 $0x1082  }
0x22: {  	[simem:s7], [sflag:s8] =	dma.local @!p0 [hbm:s6], $0xF7A  }
0x23: {  	s9 =	sor.u32 $0xD0000000, s2;
	s6 =	simm.s32 $0x108;
	_ =	swait.ge @!p0 [sflag:s8], $0x0  }
0x24: {  	s3 =	sadd.s32 $0x88, s3;
	s6 =	simm.s32 @!p1 $0x1082;
	[sflag:s4] =	ssyncset.s32 $0xFFFFF086  }
0x25: {  	[simem:s6], [sflag:s4] =	dma.local [hbm:s3], $0xF7A  }
0x26: {  	[smem:$0x3F9B] =	sst s1;
	(tag) =	ssettag s2;
	_ =	strace s9  }
0x27: {  	s1 =	sld [smem:$0x3FAB]  }
0x28: {  	s2 =	sld [smem:$0x3FAC]  }
0x29: {  	s4 =	sld [smem:$0x3FAE]  }
0x2a: {  	p0 =	seq.s32 s5, $0x0;
	s5 =	sld [smem:$0x3FAF]  }
0x2b: {  	s6 =	sld [smem:$0x3FB0]  }
0x2c: {  	s7 =	sld [smem:$0x3FB1]  }
0x2d: {  	s3 =	simm.s32 $0x108;
	s8 =	sld [smem:$0x3FB2]  }
0x2e: {  	s3 =	simm.s32 @!p0 $0x1082;
	s9 =	sld [smem:$0x3FB3]  }
0x2f: {  	lr =	sadd.s32 s0, s3;
	s0 =	sld [smem:$0x3FAA]  }
0x30: {  	s3 =	sld [smem:$0x3FAD]  }
0x31: {  	[smem:$0x3FB6] =	sst s10  }
0x32: {  	s10 =	sld [smem:$0x3FB4];
	_ =	sdelay $0x3  }
0x33: {  	p0 =	seq.s32 s10, $0x1;
	s10 =	sld [smem:$0x3FB6];
	_ =	sdelay $0x3  }
0x34: {  	[smem:$0x3FB6] =	sst s10  }
0x35: {  	s10 =	sld [smem:$0x3FB5];
	_ =	sdelay $0x3  }
0x36: {  	p1 =	seq.s32 s10, $0x1;
	s10 =	sld [smem:$0x3FB6];
	_ =	sdelay $0x3  }
0x37: {  	[smem:$0x3FB6] =	sst s10  }
0x38: {  	s10 =	sld [smem:$0x3FB7]  }
0x39: {  	_ = 	snop;
	(pc) =	sbr.ind lr, $3  }
0x3a: {  	_ = 	snop  }
0x3b: {  	_ = 	snop  }
0x3c: {  	p2 =	seq.s32 s10, $0x1;
	s10 =	sld [smem:$0x3FB6]  }
0x3d: {  	_ =	shalt  }
0x3e: {  	_ =	shalt  }
0x3f: {  	_ =	shalt  }
0x40: {  	_ =	shalt  }
0x41: {  	_ =	shalt  }
0x42: {  	_ =	shalt  }
0x43: {  	_ =	shalt  }
0x44: {  	_ =	shalt  }
0x45: {  	_ =	shalt  }
0x46: {  	_ =	shalt  }
0x47: {  	_ =	shalt  }
0x48: {  	_ =	shalt  }
0x49: {  	_ =	shalt  }
0x4a: {  	_ =	shalt  }
0x4b: {  	_ =	shalt  }
0x4c: {  	_ =	shalt  }
0x4d: {  	_ =	shalt  }
0x4e: {  	_ =	shalt  }
0x4f: {  	_ =	shalt  }
0x50: {  	_ =	shalt  }
0x51: {  	_ =	shalt  }
0x52: {  	_ =	shalt  }
0x53: {  	_ =	shalt  }
0x54: {  	_ =	shalt  }
0x55: {  	_ =	shalt  }
0x56: {  	_ =	shalt  }
0x57: {  	_ =	shalt  }
0x58: {  	_ =	shalt  }
0x59: {  	_ =	shalt  }
0x5a: {  	_ =	shalt  }
0x5b: {  	_ =	shalt  }
0x5c: {  	_ =	shalt  }
0x5d: {  	_ =	shalt  }
0x5e: {  	_ =	shalt  }
0x5f: {  	_ =	shalt  }
0x60: {  	_ =	shalt  }
0x61: {  	_ =	shalt  }
0x62: {  	_ =	shalt  }
0x63: {  	_ =	shalt  }
0x64: {  	_ =	shalt  }
0x65: {  	_ =	shalt  }
0x66: {  	_ =	shalt  }
0x67: {  	_ =	shalt  }
0x68: {  	_ =	shalt  }
0x69: {  	_ =	shalt  }
0x6a: {  	_ =	shalt  }
0x6b: {  	_ =	shalt  }
0x6c: {  	_ =	shalt  }
0x6d: {  	_ =	shalt  }
0x6e: {  	_ =	shalt  }
0x6f: {  	_ =	shalt  }
0x70: {  	_ =	shalt  }
0x71: {  	_ =	shalt  }
0x72: {  	_ =	shalt  }
0x73: {  	_ =	shalt  }
0x74: {  	_ =	shalt  }
0x75: {  	_ =	shalt  }
0x76: {  	_ =	shalt  }
0x77: {  	_ =	shalt  }
0x78: {  	_ =	shalt  }
0x79: {  	_ =	shalt  }
0x7a: {  	_ =	shalt  }
0x7b: {  	_ =	shalt  }
0x7c: {  	_ =	shalt  }
0x7d: {  	_ =	shalt  }
0x7e: {  	_ =	shalt  }
0x7f: {  	_ =	shalt  }
0x80: {  	_ =	shalt  }
0x81: {  	_ =	shalt  }
0x82: {  	_ =	shalt  }
0x83: {  	_ =	shalt  }
0x84: {  	_ =	shalt  }
0x85: {  	_ =	shalt  }
0x86: {  	_ =	shalt  }
0x87: {  	_ =	shalt  }
.Lfunc_end0:
.L_simem_size_0:
called_computation.3_lowered:
.L_overlay_start_0:
0x88: {  	s2 =	sld [smem:$0x3FD9]  }
0x89: {  	s3 =	sld [smem:$0x3FFE];
	_ =	sdelay $0x1  }
0x8a: {  	s1 =	srdreg.scid  }
0x8b: {  	s0 =	sand.u32 $0x1, s1  }
0x8c: {  	s17 =	sshll.u32 s0, $0xA;
	s2 =	sadd.s32 s3, s2  }
0x8d: {  	s2 =	sadd.s32 s2, s17  }
0x8e: {  	[smem:$0x3FC2] =	sst s2  }
0x8f: {  	_ = 	snop  }
0x90: {  	s18 =	sld [smem:$0x3FD0];
	(tm) =	ssettm $0x1  }
0x91: {  	s19 =	sld [smem:$0x3FFB];
	_ =	sdelay $0x3  }
0x92: {  	_ =	strace s19  }
0x93: {  	s2 =	sld [smem:$0x3FFC];
	_ =	sdelay $0x3  }
0x94: {  	_ =	strace s2  }
0x95: {  	s2 =	sld [smem:$0x3FFD];
	_ =	sdelay $0x3  }
0x96: {  	_ =	strace s2  }
0x97: {  	_ =	strace $0x8FFFFFFF  }
0x98: {  	s20 =	sld [smem:$0x3FDB];
	_ =	sdelay $0x1  }
0x99: {  	s4 =	simm.s32 $_scs_section_size  }
0x9a: {  	s5 =	simm.s32 $_size__tile_overlayer_lowered;
	s6 =	simm.s32 $_tile_overlayer_lowered  }
0x9b: {  	s7 =	simm.s32 $0x1BFF;
	s21 =	sshll.u32 s6, $0x1;
	s4 =	sadd.s32 s4, s20  }
0x9c: {  	s22 =	simm.s32 $0x0;
	s5 =	sshll.u32 s5, $0x1;
	s6 =	sadd.s32 s21, s4  }
0x9d: {  	[timem:s22], [sflag:s7] =	dma.local [hbm:s6], s5  }
0x9e: {  	_ =	swait.ge [sflag:s7], s5  }
0x9f: {  	s5 =	ssub.s32 $0x0, s5;
	[sflag:s7] =	ssyncset.done $0x0  }
0xa0: {  	[sflag:s7] =	ssyncadd.s32 s5;
	_ =	sdelay $0x1  }
0xa1: {  	s23 =	simm.s32 $0x1B8B  }
0xa2: {  	_ =	swait.ge [sflag:s23], $0x1  }
0xa3: {  	[sflag:s23] =	ssyncset.done $0x0  }
0xa4: {  	[sflag:s23] =	ssyncadd.s32 $0xFFFFFFFF  }
0xa5: {  	s5 =	sld [smem:$0x0]  }
0xa6: {  	s6 =	sand.u32 $0xFFFFFFFE, s1  }
0xa7: {  	p0 =	sne.s32 s1, s6  }
0xa8: {  	s6 =	sshll.u32 @p0 s6, $0xE  }
0xa9: {  	s6 =	sadd.s32 @p0 $0x11B8D, s6;
	s7 =	sshll.u32 @p0 s5, $0x11  }
0xaa: {  	s6 =	sor.u32 @p0 s7, s6  }
0xab: {  	[sflag:s6] =	ssyncadd.remote.s32 @p0 $0x1;
	_ =	sdelay $0x1  }
0xac: {  	s6 =	simm.s32 @p0 $0x1B8D  }
0xad: {  	_ =	swait.eq @p0 [sflag:s6], $0x1  }
0xae: {  	[sflag:s6] =	ssyncadd.s32 @p0 $0xFFFFFFFF  }
0xaf: {  	s7 =	sshll.u32 @!p0 s1, $0xE  }
0xb0: {  	s7 =	sor.u32 @!p0 $0x4000, s7;
	s6 =	simm.s32 @!p0 $0x1B8D  }
0xb1: {  	s5 =	sshll.u32 @!p0 s5, $0x11;
	s7 =	sadd.s32 @!p0 $0x11B8D, s7;
	_ =	swait.eq @!p0 [sflag:s6], $0x1  }
0xb2: {  	s5 =	sor.u32 @!p0 s5, s7;
	[sflag:s6] =	ssyncadd.s32 @!p0 $0xFFFFFFFF  }
0xb3: {  	s25 =	simm.s32 $0x1B8E;
	s24 =	sld [smem:$0x3FFE];
	[sflag:s5] =	ssyncadd.remote.s32 @!p0 $0x1  }
0xb4: {  	s26 =	simm.s32 $execute0_lowered;
	[smem:$0x3FD2] =	sst s25  }
0xb5: {  	s6 =	sshll.u32 s26, $0x1;
	_ =	strace $0x80000049;
	[dreg:$0x1] =	wrdreg $0xFFFFFFFF  }
0xb6: {  	s28 =	simm.s32 $_size_execute0_lowered;
	s4 =	sadd.s32 s4, s6;
	[dreg:$0x0] =	wrdreg $0x0  }
0xb7: {  	s6 =	sshll.u32 s28, $0x1;
	[dreg:$0x2] =	wrdreg s4  }
0xb8: {  	[dreg:$0x3] =	wrdreg s6  }
0xb9: {  	[dreg:$0x4] =	wrdreg $0xC0  }
0xba: {  	_ =	task [dreg:s22], $0x5FFFF  }
0xbb: {  	[dreg:$0x1] =	wrdreg $0xFFFFFFFF  }
0xbc: {  	[dreg:$0x0] =	wrdreg $0x60  }
0xbd: {  	[dreg:$0x2] =	wrdreg s24  }
0xbe: {  	[dreg:$0x3] =	wrdreg s18  }
0xbf: {  	[dreg:$0x4] =	wrdreg $0xC  }
0xc0: {  	_ =	task.clear_ibuf [dreg:s22], $0x5FFFF;
	_ =	strace $0x90000049  }
0xc1: {  	s29 =	simm.s32 $0xC;
	_ =	strace $0x8000004B  }
0xc2: {  	_ =	swait.ge [sflag:s29], $0x1  }
0xc3: {  	[sflag:s29] =	ssyncadd.s32 $0xFFFFFFFF  }
0xc4: {  	_ =	strace $0x9000004B  }
0xc5: {  	_ =	sfence  }
0xc6: {  	s30 =	sld [smem:$0x0];
	_ =	sdelay $0x2  }
0xc7: {  	s31 =	sshll.u32 s1, $0xD;
	s1 =	sshrl.u32 s1, $0x2  }
0xc8: {  	s4 =	sand.u32 $0x4000, s31;
	s1 =	sadd.s32 s1, s30  }
0xc9: {  	s0 =	sor.u32 s4, s0;
	s1 =	sshll.u32 s1, $0x11  }
0xca: {  	s0 =	sor.u32 s1, s0  }
0xcb: {  	s0 =	sadd.s32 $0x8F2B, s0  }
0xcc: {  	[sflag:s0] =	ssyncadd.remote.s32 $0x1  }
0xcd: {  	_ =	sfence.sel $0xFFFF  }
0xce: {  	[dreg:$0x0] =	wrdreg $0xFFFFFFFF;
	(pc) =	sbr.abs _section_cstart, $3  }
0xcf: {  	[dreg:$0x1] =	wrdreg $0xFFFFFFFF  }
0xd0: {  	_ =	task.clear_ibuf [dreg:s22], $0x2FFFF;
	_ =	strace $0x9FFFFFFF  }
0xd1: {  	(tm) =	ssettm $0x7FFFFFFF  }
tec
execute0_lowered:
.L_overlay_start_1:
0x0: {  	(tag) =	ssettag $0x1  }
0x1: {  	s1 =	srdreg.scid;
	s0 =	stileid.u32  }
0x2: {  	s20 =	sand.u32 $0x1, s1;
	s29 =	sshll.u32 s0, $0x1  }
0x3: {  	s13 =	sor.u32 s20, s29  }
0x4: {  	s12 =	rddreg [dreg:$0x0];
	s17 =	smul.u32 $0x1388, s13  }
0x5: {  	s16 =	rddreg [dreg:$0x1];
	s2 =	simm.s32 $0x0  }
0x6: {  	s4 =	simm.s32 $0x3;
	[smem:$0x7FF] =	sst s2;
	s3 =	sshrl.u32 s17, $0x3  }
0x7: {  	s1 =	rddreg [dreg:$0x2];
	_ =	strace $0x8000004A;
	s3 =	sadd.s32 s16, s3  }
0x8: {  	[tilespmem:s2], [sflag:$0x3] =	stream.linear.gather [hbm4b:s3+s2], $0x3E8, $0x38;
	[tilespmem:$0x84D0] =	vst v63  }
0x9: {  	s7 =	simm.s32 $0x7D0;
	_ =	swait.ge [sflag:s4], $0x3E8  }
0xa: {  	s5 =	sadd.s32 $0x1E00, s12;
	s6 =	sadd.s32 $0x3E8, s17;
	[sflag:s4] =	ssyncset.done $0x0  }
0xb: {  	s8 =	sshrl.u32 s6, $0x3;
	s6 =	simm.s32 $0x3E8;
	[sflag:s4] =	ssyncadd.s32 $0xFFFFFC18  }
0xc: {  	[tilespmem:s7], [sflag:$0x1] =	stream.indirect.gather [hbm4b:s5+s6], $0x10, s2, s6, $0xb8;
	[tilespmem:$0x84D0] =	vst v63  }
0xd: {  	s9 =	sadd.s32 s16, s8;
	s8 =	simm.s32 $0x4  }
0xe: {  	[tilespmem:s6], [sflag:$0x4] =	stream.linear.gather [hbm4b:s9+s2], $0x3E8, $0x38;
	[tilespmem:$0x84D0] =	vst v63  }
0xf: {  	_ =	swait.ge [sflag:s8], $0x3E8  }
0x10: {  	[sflag:s8] =	ssyncset.done $0x0  }
0x11: {  	s10 =	simm.s32 $0x4650;
	s11 =	simm.s32 $0x1;
	[sflag:s8] =	ssyncadd.s32 $0xFFFFFC18  }
0x12: {  	[tilespmem:s10], [sflag:$0x2] =	stream.indirect.gather [hbm4b:s5+s6], $0x10, s6, s6, $0xb8;
	[tilespmem:$0x84D0] =	vst v63  }
0x13: {  	s13 =	smul.u32 $0x2710, s13;
	_ =	swait.ge [sflag:s11], $0x3E80  }
0x14: {  	s18 =	sadd.s32 $0x5A000, s12;
	[sflag:s11] =	ssyncset.done $0x0  }
0x15: {  	s12 =	sadd.s32 s18, s13;
	[sflag:s11] =	ssyncadd.s32 $0xFFFFC180  }
0x16: {  	[hbm4b:s12+s2] =	stream.linear.scatter [tilespmem:s7], [sflag:$0x4], $0x3E80, $0x38;
	[tilespmem:$0x84D0] =	vst v63  }
0x17: {  	s19 =	sadd.s32 $0x7D0, s17;
	_ =	swait.ge [sflag:s8], $0x3E80  }
0x18: {  	s30 =	sshrl.u32 s19, $0x3;
	[sflag:s8] =	ssyncset.done $0x0  }
0x19: {  	s13 =	sadd.s32 s16, s30;
	[sflag:s8] =	ssyncadd.s32 $0xFFFFC180  }
0x1a: {  	[tilespmem:s2], [sflag:$0x4] =	stream.linear.gather [hbm4b:s13+s2], $0x3E8, $0x38;
	[tilespmem:$0x84D0] =	vst v63  }
0x1b: {  	_ =	swait.ge [sflag:s8], $0x3E8  }
0x1c: {  	[sflag:s8] =	ssyncset.done $0x0  }
0x1d: {  	s14 =	simm.s32 $0x2;
	[sflag:s8] =	ssyncadd.s32 $0xFFFFFC18  }
0x1e: {  	[tilespmem:s7], [sflag:$0x1] =	stream.indirect.gather [hbm4b:s5+s6], $0x10, s2, s6, $0xb8;
	[tilespmem:$0x84D0] =	vst v63  }
0x1f: {  	_ =	swait.ge [sflag:s14], $0x3E80  }
0x20: {  	[sflag:s14] =	ssyncset.done $0x0  }
0x21: {  	s15 =	sadd.s32 $0x7D0, s12;
	[sflag:s14] =	ssyncadd.s32 $0xFFFFC180  }
0x22: {  	[hbm4b:s15+s2] =	stream.linear.scatter [tilespmem:s10], [sflag:$0x3], $0x3E80, $0x38;
	[tilespmem:$0x84D0] =	vst v63  }
0x23: {  	s17 =	sadd.s32 $0xBB8, s17;
	_ =	swait.ge [sflag:s4], $0x3E80  }
0x24: {  	s17 =	sshrl.u32 s17, $0x3;
	[sflag:s4] =	ssyncset.done $0x0  }
0x25: {  	s16 =	sadd.s32 s16, s17;
	[sflag:s4] =	ssyncadd.s32 $0xFFFFC180  }
0x26: {  	[tilespmem:s6], [sflag:$0x4] =	stream.linear.gather [hbm4b:s16+s2], $0x3E8, $0x38;
	[tilespmem:$0x84D0] =	vst v63  }
0x27: {  	_ =	swait.ge [sflag:s8], $0x3E8  }
0x28: {  	[sflag:s8] =	ssyncset.done $0x0  }
0x29: {  	[sflag:s8] =	ssyncadd.s32 $0xFFFFFC18  }
0x2a: {  	[tilespmem:s10], [sflag:$0x2] =	stream.indirect.gather [hbm4b:s5+s6], $0x10, s6, s6, $0xb8;
	[tilespmem:$0x84D0] =	vst v63  }
0x2b: {  	_ =	swait.ge [sflag:s11], $0x3E80  }
0x2c: {  	s31 =	sshll.u32 s19, $0x1;
	[sflag:s11] =	ssyncset.done $0x0  }
0x2d: {  	s17 =	sadd.s32 s18, s31;
	[sflag:s11] =	ssyncadd.s32 $0xFFFFC180  }
0x2e: {  	[hbm4b:s17+s2] =	stream.linear.scatter [tilespmem:s7], [sflag:$0x4], $0x3E80, $0x38;
	[tilespmem:$0x84D0] =	vst v63  }
0x2f: {  	_ =	swait.ge [sflag:s8], $0x3E80  }
0x30: {  	[sflag:s8] =	ssyncset.done $0x0  }
0x31: {  	s18 =	sadd.s32 $0x1F4, s3;
	[sflag:s8] =	ssyncadd.s32 $0xFFFFC180  }
0x32: {  	[tilespmem:s2], [sflag:$0x4] =	stream.linear.gather [hbm4b:s18+s2], $0x3E8, $0x38;
	[tilespmem:$0x84D0] =	vst v63  }
0x33: {  	_ =	swait.ge [sflag:s8], $0x3E8  }
0x34: {  	[sflag:s8] =	ssyncset.done $0x0  }
0x35: {  	[sflag:s8] =	ssyncadd.s32 $0xFFFFFC18  }
0x36: {  	[tilespmem:s7], [sflag:$0x1] =	stream.indirect.gather [hbm4b:s5+s6], $0x10, s2, s6, $0xb8;
	[tilespmem:$0x84D0] =	vst v63  }
0x37: {  	_ =	swait.ge [sflag:s14], $0x3E80  }
0x38: {  	[sflag:s14] =	ssyncset.done $0x0  }
0x39: {  	s20 =	ssub.s32 $0x2, s20;
	s19 =	sadd.s32 $0x1770, s12;
	[sflag:s14] =	ssyncadd.s32 $0xFFFFC180  }
0x3a: {  	[hbm4b:s19+s2] =	stream.linear.scatter [tilespmem:s10], [sflag:$0x3], $0x3E80, $0x38;
	[tilespmem:$0x84D0] =	vst v63  }
0x3b: {  	s21 =	sshrl.u32 s20, $0x1;
	_ =	swait.ge [sflag:s4], $0x3E80  }
0x3c: {  	s20 =	ssub.s32 s20, s21;
	[sflag:s4] =	ssyncset.done $0x0  }
0x3d: {  	s21 =	smax.u32 s20, $0x1;
	[sflag:s4] =	ssyncadd.s32 $0xFFFFC180  }
0x3e: {  	p0 =	sne.s32 s21, $0x1;
	_ =	swait.ge [sflag:s11], $0x3E80  }
.Ltmp0:
0x3f: {  	[sflag:s11] =	ssyncset.done $0x0;
	(pc) =	sbr.rel @!p0 .LBB2_2-.Ltmp0, $4  }
0x40: {  	s20 =	sadd.s32 $0x1F40, s12;
	[sflag:s11] =	ssyncadd.s32 $0xFFFFC180  }
0x41: {  	[hbm4b:s20+s2] =	stream.linear.scatter [tilespmem:s7], [sflag:$0x4], $0x3E80, $0x38;
	[tilespmem:$0x84D0] =	vst v63  }
0x42: {  	_ =	swait.ge [sflag:s8], $0x3E80  }
0x43: {  	s21 =	sadd.s32 $0xFFFFFFFF, s21;
	[sflag:s8] =	ssyncset.done $0x0  }
.LBB2_1:
0x44: {  	p0 =	sne.s32 s21, $0x1;
	s21 =	sadd.s32 $0xFFFFFFFF, s21;
	[sflag:s8] =	ssyncadd.s32 $0xFFFFC180  }
0x45: {  	[tilespmem:s2], [sflag:$0x3] =	stream.linear.gather [hbm4b:s3+s2], $0x3E8, $0x38;
	[tilespmem:$0x84D0] =	vst v63  }
0x46: {  	_ =	swait.ge [sflag:s4], $0x3E8  }
0x47: {  	[sflag:s4] =	ssyncset.done $0x0  }
0x48: {  	[sflag:s4] =	ssyncadd.s32 $0xFFFFFC18  }
0x49: {  	[tilespmem:s7], [sflag:$0x1] =	stream.indirect.gather [hbm4b:s5+s6], $0x10, s2, s6, $0xb8;
	[tilespmem:$0x84D0] =	vst v63  }
0x4a: {  	_ = 	snop  }
0x4b: {  	[tilespmem:s6], [sflag:$0x4] =	stream.linear.gather [hbm4b:s9+s2], $0x3E8, $0x38;
	[tilespmem:$0x84D0] =	vst v63  }
0x4c: {  	_ =	swait.ge [sflag:s8], $0x3E8  }
0x4d: {  	[sflag:s8] =	ssyncset.done $0x0  }
0x4e: {  	[sflag:s8] =	ssyncadd.s32 $0xFFFFFC18  }
0x4f: {  	[tilespmem:s10], [sflag:$0x2] =	stream.indirect.gather [hbm4b:s5+s6], $0x10, s6, s6, $0xb8;
	[tilespmem:$0x84D0] =	vst v63  }
0x50: {  	_ =	swait.ge [sflag:s11], $0x3E80  }
0x51: {  	[sflag:s11] =	ssyncset.done $0x0  }
0x52: {  	[sflag:s11] =	ssyncadd.s32 $0xFFFFC180  }
0x53: {  	[hbm4b:s12+s2] =	stream.linear.scatter [tilespmem:s7], [sflag:$0x4], $0x3E80, $0x38;
	[tilespmem:$0x84D0] =	vst v63  }
0x54: {  	_ =	swait.ge [sflag:s8], $0x3E80  }
0x55: {  	[sflag:s8] =	ssyncset.done $0x0  }
0x56: {  	[sflag:s8] =	ssyncadd.s32 $0xFFFFC180  }
0x57: {  	[tilespmem:s2], [sflag:$0x4] =	stream.linear.gather [hbm4b:s13+s2], $0x3E8, $0x38;
	[tilespmem:$0x84D0] =	vst v63  }
0x58: {  	_ =	swait.ge [sflag:s8], $0x3E8  }
0x59: {  	[sflag:s8] =	ssyncset.done $0x0  }
0x5a: {  	[sflag:s8] =	ssyncadd.s32 $0xFFFFFC18  }
0x5b: {  	[tilespmem:s7], [sflag:$0x1] =	stream.indirect.gather [hbm4b:s5+s6], $0x10, s2, s6, $0xb8;
	[tilespmem:$0x84D0] =	vst v63  }
0x5c: {  	_ =	swait.ge [sflag:s14], $0x3E80  }
0x5d: {  	[sflag:s14] =	ssyncset.done $0x0  }
0x5e: {  	[sflag:s14] =	ssyncadd.s32 $0xFFFFC180  }
0x5f: {  	[hbm4b:s15+s2] =	stream.linear.scatter [tilespmem:s10], [sflag:$0x3], $0x3E80, $0x38;
	[tilespmem:$0x84D0] =	vst v63  }
0x60: {  	_ =	swait.ge [sflag:s4], $0x3E80  }
0x61: {  	[sflag:s4] =	ssyncset.done $0x0  }
0x62: {  	[sflag:s4] =	ssyncadd.s32 $0xFFFFC180  }
0x63: {  	[tilespmem:s6], [sflag:$0x4] =	stream.linear.gather [hbm4b:s16+s2], $0x3E8, $0x38;
	[tilespmem:$0x84D0] =	vst v63  }
0x64: {  	_ =	swait.ge [sflag:s8], $0x3E8  }
0x65: {  	[sflag:s8] =	ssyncset.done $0x0  }
0x66: {  	[sflag:s8] =	ssyncadd.s32 $0xFFFFFC18  }
0x67: {  	[tilespmem:s10], [sflag:$0x2] =	stream.indirect.gather [hbm4b:s5+s6], $0x10, s6, s6, $0xb8;
	[tilespmem:$0x84D0] =	vst v63  }
0x68: {  	_ =	swait.ge [sflag:s11], $0x3E80  }
0x69: {  	[sflag:s11] =	ssyncset.done $0x0  }
0x6a: {  	[sflag:s11] =	ssyncadd.s32 $0xFFFFC180  }
0x6b: {  	[hbm4b:s17+s2] =	stream.linear.scatter [tilespmem:s7], [sflag:$0x4], $0x3E80, $0x38;
	[tilespmem:$0x84D0] =	vst v63  }
0x6c: {  	_ =	swait.ge [sflag:s8], $0x3E80  }
0x6d: {  	[sflag:s8] =	ssyncset.done $0x0  }
0x6e: {  	[sflag:s8] =	ssyncadd.s32 $0xFFFFC180  }
0x6f: {  	[tilespmem:s2], [sflag:$0x4] =	stream.linear.gather [hbm4b:s18+s2], $0x3E8, $0x38;
	[tilespmem:$0x84D0] =	vst v63  }
0x70: {  	_ =	swait.ge [sflag:s8], $0x3E8  }
0x71: {  	[sflag:s8] =	ssyncset.done $0x0  }
0x72: {  	[sflag:s8] =	ssyncadd.s32 $0xFFFFFC18  }
0x73: {  	[tilespmem:s7], [sflag:$0x1] =	stream.indirect.gather [hbm4b:s5+s6], $0x10, s2, s6, $0xb8;
	[tilespmem:$0x84D0] =	vst v63  }
0x74: {  	_ =	swait.ge [sflag:s14], $0x3E80  }
0x75: {  	[sflag:s14] =	ssyncset.done $0x0  }
0x76: {  	[sflag:s14] =	ssyncadd.s32 $0xFFFFC180  }
0x77: {  	[hbm4b:s19+s2] =	stream.linear.scatter [tilespmem:s10], [sflag:$0x3], $0x3E80, $0x38;
	[tilespmem:$0x84D0] =	vst v63  }
0x78: {  	_ =	swait.ge [sflag:s4], $0x3E80  }
0x79: {  	[sflag:s4] =	ssyncset.done $0x0  }
0x7a: {  	[sflag:s4] =	ssyncadd.s32 $0xFFFFC180  }
0x7b: {  	_ =	swait.ge [sflag:s11], $0x3E80  }
.Ltmp1:
0x7c: {  	[sflag:s11] =	ssyncset.done $0x0;
	(pc) =	sbr.rel @p0 .LBB2_1-.Ltmp1, $4  }
0x7d: {  	[sflag:s11] =	ssyncadd.s32 $0xFFFFC180  }
0x7e: {  	[hbm4b:s20+s2] =	stream.linear.scatter [tilespmem:s7], [sflag:$0x4], $0x3E80, $0x38;
	[tilespmem:$0x84D0] =	vst v63  }
0x7f: {  	_ =	swait.ge [sflag:s8], $0x3E80  }
0x80: {  	[sflag:s8] =	ssyncset.done $0x0  }
.LBB2_2:
0x81: {  	[sflag:s8] =	ssyncadd.s32 $0xFFFFC180  }
0x82: {  	_ =	sfence.sel $0x180000  }
0x83: {  	[bflag:$0x0] =	sbarrier.arrive $0xFFFF  }
0x84: {  	p0 =	sne.s32 s0, $0x0;
	_ =	strace $0x9000004A  }
0x85: {  	s0 =	sadd.s32 @!p0 $0x100000, s1;
	[bflag:$0x2] =	sbarrier.arrive $0xFFFF  }
0x86: {  	[sflag:s0] =	ssyncadd.tile.s32 @!p0 $0x1;
	_ =	shalt  }
.Lfunc_end2:
_tile_overlayer_lowered:
.L_overlay_start_2:
0x87: {  	(tag) =	ssettag $0x2  }
0x88: {  	s0 =	rddreg [dreg:$0x0];
	s2 =	stileid.u32  }
0x89: {  	s1 =	rddreg [dreg:$0x1];
	p0 =	sne.s32 s2, $0x0  }
0x8a: {  	s3 =	rddreg [dreg:$0x2];
	[bflag:$0x3] =	sbarrier.arrive $0xFFFF;
	s2 =	simm.s32 @!p0 $0x1C03  }
0x8b: {  	[timem:s3], [sflag:s2] =	dma.local @!p0 [hbm:s0], s1  }
0x8c: {  	s0 =	simm.s32 @!p0 $0x3  }
0x8d: {  	_ =	swait.ge @!p0 [sflag:s0], s1  }
0x8e: {  	s1 =	ssub.s32 @!p0 $0x0, s1;
	[sflag:s0] =	ssyncset.done @!p0 $0x0  }
0x8f: {  	[sflag:s0] =	ssyncadd.s32 @!p0 s1  }
0x90: {  	[bflag:$0x3] =	sbarrier.arrive $0xFFFF  }
0x91: {  	_ =	shalt  }

// kernel: kernel.8.cloned.1.call-start
scs
__scs_entry_jumppad:
0x0: {  	(pc) =	sbr.rel $0x88, $3  }
0x1: {  	(tag) =	ssettag $0x0;
	lr =	simm.s32 $0x1  }
0x2: {  	[smem:$0x3F9B] =	sst lr;
	_ =	strace $0xD0000000  }
0x3: {  	_ = 	snop  }
0x4: {  	_ = 	snop  }
0x5: {  	_ = 	snop  }
0x6: {  	_ = 	snop  }
0x7: {  	_ = 	snop  }
__scs_overlays_trampoline_lowered:
0x8: {  	[smem:$0x3FAA] =	sst s0  }
0x9: {  	[smem:$0x3FAB] =	sst s1  }
0xa: {  	[smem:$0x3FAC] =	sst s2  }
0xb: {  	[smem:$0x3FAD] =	sst s3  }
0xc: {  	[smem:$0x3FAE] =	sst s4  }
0xd: {  	[smem:$0x3FAF] =	sst s5  }
0xe: {  	[smem:$0x3FB0] =	sst s6  }
0xf: {  	[smem:$0x3FB1] =	sst s7  }
0x10: {  	[smem:$0x3FB2] =	sst s8  }
0x11: {  	[smem:$0x3FB3] =	sst s9;
	s0 =	simm.s32 @!p0 $0x0  }
0x12: {  	s1 =	sld [smem:$0x3F99];
	s0 =	simm.s32 @p0 $0x1  }
0x13: {  	[smem:$0x3FB4] =	sst s0;
	s0 =	simm.s32 @!p1 $0x0  }
0x14: {  	s2 =	sld [smem:$0x3F98];
	s0 =	simm.s32 @p1 $0x1  }
0x15: {  	[smem:$0x3FB5] =	sst s0;
	s0 =	simm.s32 @!p2 $0x0  }
0x16: {  	s3 =	sld [smem:$0x3FDB];
	s0 =	simm.s32 @p2 $0x1  }
0x17: {  	s4 =	simm.s32 $0x1BF5;
	[smem:$0x3FB7] =	sst s0  }
0x18: {  	s0 =	sld [smem:$0x3F9A];
	_ =	swait.ge [sflag:s4], $0x0  }
0x19: {  	s7 =	sld [smem:$0x3F9B]  }
0x1a: {  	s8 =	sadd.s32 $0xFFFFE003, lr  }
0x1b: {  	s9 =	sadd.s32 $0xFFFFFEF7, lr;
	s5 =	simm.s32 $0xFFFFFFFF;
	p2 =	slt.u32 s8, $0xFFFFF086  }
0x1c: {  	p1 =	slt.u32 s9, $0xF7A;
	s5 =	simm.s32 @!p2 $0x0  }
0x1d: {  	s5 =	simm.s32 @p1 $0x1;
	p0 =	seq.s32 s7, s2  }
0x1e: {  	s7 =	smul.u32 @!p0 $0xF7A, s2;
	p2 =	seq.s32 @!p0 s5, $0x0  }
0x1f: {  	s9 =	smul.u32 $0xF7A, s1;
	s8 =	simm.s32 @!p0 $0x1BF5;
	p2 =	por !p2, p0  }
0x20: {  	[sflag:s8] =	ssyncset.s32 @!p0 $0xFFFFF086;
	s6 =	sadd.s32 @!p0 s3, s7;
	s7 =	simm.s32 @!p0 $0x108  }
0x21: {  	s3 =	sadd.s32 s3, s9;
	s6 =	sadd.s32 @!p0 $0x88, s6;
	s7 =	simm.s32 @p2 $0x1082  }
0x22: {  	[simem:s7], [sflag:s8] =	dma.local @!p0 [hbm:s6], $0xF7A  }
0x23: {  	s9 =	sor.u32 $0xD0000000, s2;
	s6 =	simm.s32 $0x108;
	_ =	swait.ge @!p0 [sflag:s8], $0x0  }
0x24: {  	s3 =	sadd.s32 $0x88, s3;
	s6 =	simm.s32 @!p1 $0x1082;
	[sflag:s4] =	ssyncset.s32 $0xFFFFF086  }
0x25: {  	[simem:s6], [sflag:s4] =	dma.local [hbm:s3], $0xF7A  }
0x26: {  	[smem:$0x3F9B] =	sst s1;
	(tag) =	ssettag s2;
	_ =	strace s9  }
0x27: {  	s1 =	sld [smem:$0x3FAB]  }
0x28: {  	s2 =	sld [smem:$0x3FAC]  }
0x29: {  	s4 =	sld [smem:$0x3FAE]  }
0x2a: {  	p0 =	seq.s32 s5, $0x0;
	s5 =	sld [smem:$0x3FAF]  }
0x2b: {  	s6 =	sld [smem:$0x3FB0]  }
0x2c: {  	s7 =	sld [smem:$0x3FB1]  }
0x2d: {  	s3 =	simm.s32 $0x108;
	s8 =	sld [smem:$0x3FB2]  }
0x2e: {  	s3 =	simm.s32 @!p0 $0x1082;
	s9 =	sld [smem:$0x3FB3]  }
0x2f: {  	lr =	sadd.s32 s0, s3;
	s0 =	sld [smem:$0x3FAA]  }
0x30: {  	s3 =	sld [smem:$0x3FAD]  }
0x31: {  	[smem:$0x3FB6] =	sst s10  }
0x32: {  	s10 =	sld [smem:$0x3FB4];
	_ =	sdelay $0x3  }
0x33: {  	p0 =	seq.s32 s10, $0x1;
	s10 =	sld [smem:$0x3FB6];
	_ =	sdelay $0x3  }
0x34: {  	[smem:$0x3FB6] =	sst s10  }
0x35: {  	s10 =	sld [smem:$0x3FB5];
	_ =	sdelay $0x3  }
0x36: {  	p1 =	seq.s32 s10, $0x1;
	s10 =	sld [smem:$0x3FB6];
	_ =	sdelay $0x3  }
0x37: {  	[smem:$0x3FB6] =	sst s10  }
0x38: {  	s10 =	sld [smem:$0x3FB7]  }
0x39: {  	_ = 	snop;
	(pc) =	sbr.ind lr, $3  }
0x3a: {  	_ = 	snop  }
0x3b: {  	_ = 	snop  }
0x3c: {  	p2 =	seq.s32 s10, $0x1;
	s10 =	sld [smem:$0x3FB6]  }
0x3d: {  	_ =	shalt  }
0x3e: {  	_ =	shalt  }
0x3f: {  	_ =	shalt  }
0x40: {  	_ =	shalt  }
0x41: {  	_ =	shalt  }
0x42: {  	_ =	shalt  }
0x43: {  	_ =	shalt  }
0x44: {  	_ =	shalt  }
0x45: {  	_ =	shalt  }
0x46: {  	_ =	shalt  }
0x47: {  	_ =	shalt  }
0x48: {  	_ =	shalt  }
0x49: {  	_ =	shalt  }
0x4a: {  	_ =	shalt  }
0x4b: {  	_ =	shalt  }
0x4c: {  	_ =	shalt  }
0x4d: {  	_ =	shalt  }
0x4e: {  	_ =	shalt  }
0x4f: {  	_ =	shalt  }
0x50: {  	_ =	shalt  }
0x51: {  	_ =	shalt  }
0x52: {  	_ =	shalt  }
0x53: {  	_ =	shalt  }
0x54: {  	_ =	shalt  }
0x55: {  	_ =	shalt  }
0x56: {  	_ =	shalt  }
0x57: {  	_ =	shalt  }
0x58: {  	_ =	shalt  }
0x59: {  	_ =	shalt  }
0x5a: {  	_ =	shalt  }
0x5b: {  	_ =	shalt  }
0x5c: {  	_ =	shalt  }
0x5d: {  	_ =	shalt  }
0x5e: {  	_ =	shalt  }
0x5f: {  	_ =	shalt  }
0x60: {  	_ =	shalt  }
0x61: {  	_ =	shalt  }
0x62: {  	_ =	shalt  }
0x63: {  	_ =	shalt  }
0x64: {  	_ =	shalt  }
0x65: {  	_ =	shalt  }
0x66: {  	_ =	shalt  }
0x67: {  	_ =	shalt  }
0x68: {  	_ =	shalt  }
0x69: {  	_ =	shalt  }
0x6a: {  	_ =	shalt  }
0x6b: {  	_ =	shalt  }
0x6c: {  	_ =	shalt  }
0x6d: {  	_ =	shalt  }
0x6e: {  	_ =	shalt  }
0x6f: {  	_ =	shalt  }
0x70: {  	_ =	shalt  }
0x71: {  	_ =	shalt  }
0x72: {  	_ =	shalt  }
0x73: {  	_ =	shalt  }
0x74: {  	_ =	shalt  }
0x75: {  	_ =	shalt  }
0x76: {  	_ =	shalt  }
0x77: {  	_ =	shalt  }
0x78: {  	_ =	shalt  }
0x79: {  	_ =	shalt  }
0x7a: {  	_ =	shalt  }
0x7b: {  	_ =	shalt  }
0x7c: {  	_ =	shalt  }
0x7d: {  	_ =	shalt  }
0x7e: {  	_ =	shalt  }
0x7f: {  	_ =	shalt  }
0x80: {  	_ =	shalt  }
0x81: {  	_ =	shalt  }
0x82: {  	_ =	shalt  }
0x83: {  	_ =	shalt  }
0x84: {  	_ =	shalt  }
0x85: {  	_ =	shalt  }
0x86: {  	_ =	shalt  }
0x87: {  	_ =	shalt  }
.Lfunc_end0:
.L_simem_size_0:
called_computation_lowered:
.L_overlay_start_0:
0x88: {  	s2 =	sld [smem:$0x3FD9]  }
0x89: {  	s3 =	sld [smem:$0x3FFE];
	_ =	sdelay $0x1  }
0x8a: {  	s1 =	srdreg.scid  }
0x8b: {  	s0 =	sand.u32 $0x1, s1  }
0x8c: {  	s17 =	sshll.u32 s0, $0xA;
	s2 =	sadd.s32 s3, s2  }
0x8d: {  	s2 =	sadd.s32 s2, s17  }
0x8e: {  	[smem:$0x3FC2] =	sst s2  }
0x8f: {  	_ = 	snop  }
0x90: {  	s18 =	sld [smem:$0x3FC6];
	(tm) =	ssettm $0x1  }
0x91: {  	s19 =	sld [smem:$0x3FFB];
	_ =	sdelay $0x3  }
0x92: {  	_ =	strace s19  }
0x93: {  	s2 =	sld [smem:$0x3FFC];
	_ =	sdelay $0x3  }
0x94: {  	_ =	strace s2  }
0x95: {  	s2 =	sld [smem:$0x3FFD];
	_ =	sdelay $0x3  }
0x96: {  	_ =	strace s2  }
0x97: {  	_ =	strace $0x8FFFFFFF  }
0x98: {  	s20 =	sld [smem:$0x3FDB];
	_ =	sdelay $0x1  }
0x99: {  	s4 =	simm.s32 $_scs_section_size  }
0x9a: {  	s5 =	simm.s32 $_size__tile_overlayer_lowered;
	s6 =	simm.s32 $_tile_overlayer_lowered  }
0x9b: {  	s7 =	simm.s32 $0x1BFF;
	s21 =	sshll.u32 s6, $0x1;
	s4 =	sadd.s32 s4, s20  }
0x9c: {  	s22 =	simm.s32 $0x0;
	s5 =	sshll.u32 s5, $0x1;
	s6 =	sadd.s32 s21, s4  }
0x9d: {  	[timem:s22], [sflag:s7] =	dma.local [hbm:s6], s5  }
0x9e: {  	_ =	swait.ge [sflag:s7], s5  }
0x9f: {  	s5 =	ssub.s32 $0x0, s5;
	[sflag:s7] =	ssyncset.done $0x0  }
0xa0: {  	[sflag:s7] =	ssyncadd.s32 s5;
	_ =	sdelay $0x1  }
0xa1: {  	s23 =	simm.s32 $0x1B8B  }
0xa2: {  	_ =	swait.ge [sflag:s23], $0x1  }
0xa3: {  	[sflag:s23] =	ssyncset.done $0x0  }
0xa4: {  	[sflag:s23] =	ssyncadd.s32 $0xFFFFFFFF  }
0xa5: {  	s5 =	sld [smem:$0x0]  }
0xa6: {  	s6 =	sand.u32 $0xFFFFFFFE, s1  }
0xa7: {  	p0 =	sne.s32 s1, s6  }
0xa8: {  	s6 =	sshll.u32 @p0 s6, $0xE  }
0xa9: {  	s6 =	sadd.s32 @p0 $0x11B8D, s6;
	s7 =	sshll.u32 @p0 s5, $0x11  }
0xaa: {  	s6 =	sor.u32 @p0 s7, s6  }
0xab: {  	[sflag:s6] =	ssyncadd.remote.s32 @p0 $0x1;
	_ =	sdelay $0x1  }
0xac: {  	s6 =	simm.s32 @p0 $0x1B8D  }
0xad: {  	_ =	swait.eq @p0 [sflag:s6], $0x1  }
0xae: {  	[sflag:s6] =	ssyncadd.s32 @p0 $0xFFFFFFFF  }
0xaf: {  	s7 =	sshll.u32 @!p0 s1, $0xE  }
0xb0: {  	s7 =	sor.u32 @!p0 $0x4000, s7;
	s6 =	simm.s32 @!p0 $0x1B8D  }
0xb1: {  	s5 =	sshll.u32 @!p0 s5, $0x11;
	s7 =	sadd.s32 @!p0 $0x11B8D, s7;
	_ =	swait.eq @!p0 [sflag:s6], $0x1  }
0xb2: {  	s5 =	sor.u32 @!p0 s5, s7;
	[sflag:s6] =	ssyncadd.s32 @!p0 $0xFFFFFFFF  }
0xb3: {  	s25 =	simm.s32 $0x1B8E;
	s24 =	sld [smem:$0x3FFE];
	[sflag:s5] =	ssyncadd.remote.s32 @!p0 $0x1  }
0xb4: {  	s26 =	simm.s32 $execute0_lowered;
	[smem:$0x3FD2] =	sst s25  }
0xb5: {  	s6 =	sshll.u32 s26, $0x1;
	_ =	strace $0x8000004C;
	[dreg:$0x1] =	wrdreg $0xFFFFFFFF  }
0xb6: {  	s28 =	simm.s32 $_size_execute0_lowered;
	s4 =	sadd.s32 s4, s6;
	[dreg:$0x0] =	wrdreg $0x0  }
0xb7: {  	s6 =	sshll.u32 s28, $0x1;
	[dreg:$0x2] =	wrdreg s4  }
0xb8: {  	[dreg:$0x3] =	wrdreg s6  }
0xb9: {  	[dreg:$0x4] =	wrdreg $0xC0  }
0xba: {  	_ =	task [dreg:s22], $0x5FFFF  }
0xbb: {  	[dreg:$0x1] =	wrdreg $0xFFFFFFFF  }
0xbc: {  	[dreg:$0x0] =	wrdreg $0x60  }
0xbd: {  	[dreg:$0x2] =	wrdreg s18  }
0xbe: {  	[dreg:$0x3] =	wrdreg s24  }
0xbf: {  	[dreg:$0x4] =	wrdreg $0x9  }
0xc0: {  	_ =	task.clear_ibuf [dreg:s22], $0x5FFFF;
	_ =	strace $0x9000004C  }
0xc1: {  	s29 =	simm.s32 $0x9;
	_ =	strace $0x8000004E  }
0xc2: {  	_ =	swait.ge [sflag:s29], $0x1  }
0xc3: {  	[sflag:s29] =	ssyncadd.s32 $0xFFFFFFFF  }
0xc4: {  	_ =	strace $0x9000004E  }
0xc5: {  	_ =	sfence  }
0xc6: {  	s30 =	sld [smem:$0x0];
	_ =	sdelay $0x2  }
0xc7: {  	s31 =	sshll.u32 s1, $0xD;
	s1 =	sshrl.u32 s1, $0x2  }
0xc8: {  	s4 =	sand.u32 $0x4000, s31;
	s1 =	sadd.s32 s1, s30  }
0xc9: {  	s0 =	sor.u32 s4, s0;
	s1 =	sshll.u32 s1, $0x11  }
0xca: {  	s0 =	sor.u32 s1, s0  }
0xcb: {  	s0 =	sadd.s32 $0x8F2B, s0  }
0xcc: {  	[sflag:s0] =	ssyncadd.remote.s32 $0x1  }
0xcd: {  	_ =	sfence.sel $0xFFFF  }
0xce: {  	[dreg:$0x0] =	wrdreg $0xFFFFFFFF;
	(pc) =	sbr.abs _section_cstart, $3  }
0xcf: {  	[dreg:$0x1] =	wrdreg $0xFFFFFFFF  }
0xd0: {  	_ =	task.clear_ibuf [dreg:s22], $0x2FFFF;
	_ =	strace $0x9FFFFFFF  }
0xd1: {  	(tm) =	ssettm $0x7FFFFFFF  }
tec
execute0_lowered:
.L_overlay_start_1:
0x0: {  	(tag) =	ssettag $0x1  }
0x1: {  	s2 =	rddreg [dreg:$0x0];
	s1 =	srdreg.scid  }
0x2: {  	s0 =	stileid.u32;
	s5 =	rddreg [dreg:$0x1];
	s3 =	simm.s32 $0x0  }
0x3: {  	s14 =	simm.s32 $0x100;
	s15 =	simm.s32 $0x4;
	s16 =	simm.s32 $0x6600  }
0x4: {  	s17 =	simm.s32 $0x1;
	s18 =	simm.s32 $0x2;
	s19 =	simm.s32 $0x0  }
0x5: {  	s7 =	sand.u32 $0x1, s1;
	s1 =	rddreg [dreg:$0x2];
	s11 =	smul.u32 $0x2710, s0  }
0x6: {  	s4 =	sshll.u32 s0, $0x1;
	[smem:$0x7FF] =	sst s3;
	s29 =	smul.u32 $0x27100, s0  }
0x7: {  	s10 =	sadd.s32 $0xA8200, s5;
	s6 =	sor.u32 s7, s4;
	s12 =	smul.u32 $0x1388, s7  }
0x8: {  	_ =	strace $0x8000004D;
	s26 =	ssub.s32 $0x2, s7;
	s13 =	smul.u32 $0x13880, s7  }
0x9: {  	s4 =	sadd.s32 $0x6E00, s5;
	s8 =	smul.u32 $0x1388, s6;
	s28 =	sshrl.u32 s26, $0x1  }
0xa: {  	s9 =	smul.u32 $0x13880, s6;
	s6 =	ssub.s32 s26, s28;
	s11 =	sadd.s32 s12, s11  }
0xb: {  	s12 =	simm.s32 $0xC8;
	s8 =	sshrl.u32 s8, $0x3;
	s6 =	smax.u32 s6, $0x1  }
0xc: {  	s30 =	sadd.s32 s10, s9;
	s31 =	sadd.s32 $0xC8, s11;
	s5 =	sadd.s32 s4, s8  }
0xd: {  	s8 =	sadd.s32 s29, s10;
	s7 =	sadd.s32 $0x12C00, s30;
	s9 =	sshrl.u32 s31, $0x3  }
0xe: {  	s10 =	sadd.s32 $0x190, s11;
	s11 =	simm.s32 $0x3;
	s8 =	sadd.s32 s13, s8  }
0xf: {  	s9 =	sadd.s32 s9, s4;
	s13 =	simm.s32 $0x200;
	s8 =	sadd.s32 $0xC80, s8  }
.LBB2_1:
0x10: {  	[tilespmem:s3], [sflag:$0x3] =	stream.linear.gather [hbm4b:s5+s3], $0xC8, $0x38;
	[tilespmem:$0xCA00] =	vst v63  }
0x11: {  	_ =	swait.ge [sflag:s11], $0xC8  }
0x12: {  	[sflag:s11] =	ssyncset.done $0x0  }
0x13: {  	[sflag:s11] =	ssyncadd.s32 $0xFFFFFF38  }
0x14: {  	[tilespmem:s13], [sflag:$0x1] =	stream.indirect.gather [hbm4b:s2+s12], $0x80, s3, s12, $0xb8;
	[tilespmem:$0xCA00] =	vst v63  }
0x15: {  	s20 =	sadd.s32 $0x0, s9  }
0x16: {  	[tilespmem:s14], [sflag:$0x4] =	stream.linear.gather [hbm4b:s20+s3], $0xC8, $0x38;
	[tilespmem:$0xCA00] =	vst v63  }
0x17: {  	_ =	swait.ge [sflag:s15], $0xC8  }
0x18: {  	[sflag:s15] =	ssyncset.done $0x0  }
0x19: {  	[sflag:s15] =	ssyncadd.s32 $0xFFFFFF38  }
0x1a: {  	[tilespmem:s16], [sflag:$0x2] =	stream.indirect.gather [hbm4b:s2+s12], $0x80, s14, s12, $0xb8;
	[tilespmem:$0xCA00] =	vst v63  }
0x1b: {  	_ =	swait.ge [sflag:s17], $0x6400  }
0x1c: {  	[sflag:s17] =	ssyncset.done $0x0  }
0x1d: {  	s30 =	sadd.s32 $0xFFFFF380, s8;
	[sflag:s17] =	ssyncadd.s32 $0xFFFF9C00  }
0x1e: {  	[hbm4b:s30+s3] =	stream.linear.scatter [tilespmem:s13], [sflag:$0x4], $0x6400, $0x38;
	[tilespmem:$0xCA00] =	vst v63  }
0x1f: {  	_ =	swait.ge [sflag:s15], $0x6400  }
0x20: {  	s31 =	sshrl.u32 s10, $0x3;
	[sflag:s15] =	ssyncset.done $0x0  }
0x21: {  	s20 =	sadd.s32 s4, s31;
	[sflag:s15] =	ssyncadd.s32 $0xFFFF9C00  }
0x22: {  	[tilespmem:s3], [sflag:$0x4] =	stream.linear.gather [hbm4b:s20+s3], $0xC8, $0x38;
	[tilespmem:$0xCA00] =	vst v63  }
0x23: {  	_ =	swait.ge [sflag:s15], $0xC8  }
0x24: {  	[sflag:s15] =	ssyncset.done $0x0  }
0x25: {  	[sflag:s15] =	ssyncadd.s32 $0xFFFFFF38  }
0x26: {  	[tilespmem:s13], [sflag:$0x1] =	stream.indirect.gather [hbm4b:s2+s12], $0x80, s3, s12, $0xb8;
	[tilespmem:$0xCA00] =	vst v63  }
0x27: {  	_ =	swait.ge [sflag:s18], $0x6400  }
0x28: {  	[sflag:s18] =	ssyncset.done $0x0  }
0x29: {  	[sflag:s18] =	ssyncadd.s32 $0xFFFF9C00  }
0x2a: {  	[hbm4b:s8+s3] =	stream.linear.scatter [tilespmem:s16], [sflag:$0x3], $0x6400, $0x38;
	[tilespmem:$0xCA00] =	vst v63  }
0x2b: {  	s22 =	simm.s32 $0x32;
	s23 =	simm.s32 $0x64;
	_ =	swait.ge [sflag:s11], $0x6400  }
0x2c: {  	s21 =	sadd.s32 $0x190, s10;
	s20 =	sadd.s32 $0x1900, s8;
	[sflag:s11] =	ssyncset.done $0x0  }
.LBB2_2:
0x2d: {  	s24 =	sadd.s32 s22, s9  }
0x2e: {  	[sflag:s11] =	ssyncadd.s32 $0xFFFF9C00;
	s22 =	smov.u32 s23;
	s25 =	sadd.s32 $0x32, s23  }
0x2f: {  	[tilespmem:s14], [sflag:$0x4] =	stream.linear.gather [hbm4b:s24+s3], $0xC8, $0x38;
	[tilespmem:$0xCA00] =	vst v63  }
0x30: {  	p0 =	sne.s32 s23, $0x226;
	_ =	swait.ge [sflag:s15], $0xC8  }
0x31: {  	[sflag:s15] =	ssyncset.done $0x0  }
0x32: {  	[sflag:s15] =	ssyncadd.s32 $0xFFFFFF38  }
0x33: {  	[tilespmem:s16], [sflag:$0x2] =	stream.indirect.gather [hbm4b:s2+s12], $0x80, s14, s12, $0xb8;
	[tilespmem:$0xCA00] =	vst v63  }
0x34: {  	_ =	swait.ge [sflag:s17], $0x6400  }
0x35: {  	[sflag:s17] =	ssyncset.done $0x0  }
0x36: {  	s23 =	sadd.s32 $0xFFFFF380, s20;
	[sflag:s17] =	ssyncadd.s32 $0xFFFF9C00  }
0x37: {  	[hbm4b:s23+s3] =	stream.linear.scatter [tilespmem:s13], [sflag:$0x4], $0x6400, $0x38;
	[tilespmem:$0xCA00] =	vst v63  }
0x38: {  	_ =	swait.ge [sflag:s15], $0x6400  }
0x39: {  	s23 =	sshrl.u32 s21, $0x3;
	[sflag:s15] =	ssyncset.done $0x0  }
0x3a: {  	s23 =	sadd.s32 s4, s23;
	[sflag:s15] =	ssyncadd.s32 $0xFFFF9C00  }
0x3b: {  	[tilespmem:s3], [sflag:$0x4] =	stream.linear.gather [hbm4b:s23+s3], $0xC8, $0x38;
	[tilespmem:$0xCA00] =	vst v63  }
0x3c: {  	_ =	swait.ge [sflag:s15], $0xC8  }
0x3d: {  	[sflag:s15] =	ssyncset.done $0x0  }
0x3e: {  	[sflag:s15] =	ssyncadd.s32 $0xFFFFFF38  }
0x3f: {  	[tilespmem:s13], [sflag:$0x1] =	stream.indirect.gather [hbm4b:s2+s12], $0x80, s3, s12, $0xb8;
	[tilespmem:$0xCA00] =	vst v63  }
0x40: {  	_ =	swait.ge [sflag:s18], $0x6400  }
.Ltmp0:
0x41: {  	[sflag:s18] =	ssyncset.done $0x0;
	(pc) =	sbr.rel @p0 .LBB2_2-.Ltmp0, $4  }
0x42: {  	[sflag:s18] =	ssyncadd.s32 $0xFFFF9C00  }
0x43: {  	[hbm4b:s20+s3] =	stream.linear.scatter [tilespmem:s16], [sflag:$0x3], $0x6400, $0x38;
	[tilespmem:$0xCA00] =	vst v63  }
0x44: {  	s21 =	sadd.s32 $0x190, s21;
	_ =	swait.ge [sflag:s11], $0x6400  }
0x45: {  	s23 =	smov.u32 s25;
	s20 =	sadd.s32 $0x1900, s20;
	[sflag:s11] =	ssyncset.done $0x0  }
0x46: {  	s22 =	sadd.s32 s22, s9;
	[sflag:s11] =	ssyncadd.s32 $0xFFFF9C00  }
0x47: {  	[tilespmem:s14], [sflag:$0x4] =	stream.linear.gather [hbm4b:s22+s3], $0xC8, $0x38;
	[tilespmem:$0xCA00] =	vst v63  }
0x48: {  	_ =	swait.ge [sflag:s15], $0xC8  }
0x49: {  	[sflag:s15] =	ssyncset.done $0x0  }
0x4a: {  	[sflag:s15] =	ssyncadd.s32 $0xFFFFFF38  }
0x4b: {  	[tilespmem:s16], [sflag:$0x2] =	stream.indirect.gather [hbm4b:s2+s12], $0x80, s14, s12, $0xb8;
	[tilespmem:$0xCA00] =	vst v63  }
0x4c: {  	_ =	swait.ge [sflag:s17], $0x6400  }
0x4d: {  	[sflag:s17] =	ssyncset.done $0x0  }
0x4e: {  	s31 =	sadd.s32 $0xFFFFF380, s20;
	[sflag:s17] =	ssyncadd.s32 $0xFFFF9C00  }
0x4f: {  	[hbm4b:s31+s3] =	stream.linear.scatter [tilespmem:s13], [sflag:$0x4], $0x6400, $0x38;
	[tilespmem:$0xCA00] =	vst v63  }
0x50: {  	_ =	swait.ge [sflag:s15], $0x6400  }
0x51: {  	s21 =	sshrl.u32 s21, $0x3;
	[sflag:s15] =	ssyncset.done $0x0  }
0x52: {  	s21 =	sadd.s32 s4, s21;
	[sflag:s15] =	ssyncadd.s32 $0xFFFF9C00  }
0x53: {  	[tilespmem:s3], [sflag:$0x4] =	stream.linear.gather [hbm4b:s21+s3], $0xC8, $0x38;
	[tilespmem:$0xCA00] =	vst v63  }
0x54: {  	_ =	swait.ge [sflag:s15], $0xC8  }
0x55: {  	[sflag:s15] =	ssyncset.done $0x0  }
0x56: {  	[sflag:s15] =	ssyncadd.s32 $0xFFFFFF38  }
0x57: {  	[tilespmem:s13], [sflag:$0x1] =	stream.indirect.gather [hbm4b:s2+s12], $0x80, s3, s12, $0xb8;
	[tilespmem:$0xCA00] =	vst v63  }
0x58: {  	_ =	swait.ge [sflag:s18], $0x6400  }
0x59: {  	[sflag:s18] =	ssyncset.done $0x0  }
0x5a: {  	[sflag:s18] =	ssyncadd.s32 $0xFFFF9C00  }
0x5b: {  	[hbm4b:s20+s3] =	stream.linear.scatter [tilespmem:s16], [sflag:$0x3], $0x6400, $0x38;
	[tilespmem:$0xCA00] =	vst v63  }
0x5c: {  	_ =	swait.ge [sflag:s11], $0x6400  }
0x5d: {  	[sflag:s11] =	ssyncset.done $0x0  }
0x5e: {  	[sflag:s11] =	ssyncadd.s32 $0xFFFF9C00  }
0x5f: {  	s19 =	sadd.s32 $0x1, s19;
	_ =	swait.ge [sflag:s17], $0x6400  }
0x60: {  	p0 =	sne.s32 s19, s6;
	[sflag:s17] =	ssyncset.done $0x0  }
.Ltmp1:
0x61: {  	[sflag:s17] =	ssyncadd.s32 $0xFFFF9C00;
	(pc) =	sbr.rel @p0 .LBB2_1-.Ltmp1, $4  }
0x62: {  	[hbm4b:s7+s3] =	stream.linear.scatter [tilespmem:s13], [sflag:$0x4], $0x6400, $0x38;
	[tilespmem:$0xCA00] =	vst v63  }
0x63: {  	_ =	swait.ge [sflag:s15], $0x6400  }
0x64: {  	[sflag:s15] =	ssyncset.done $0x0  }
0x65: {  	[sflag:s15] =	ssyncadd.s32 $0xFFFF9C00  }
0x66: {  	_ =	sfence.sel $0x180000  }
0x67: {  	[bflag:$0x0] =	sbarrier.arrive $0xFFFF  }
0x68: {  	p0 =	sne.s32 s0, $0x0;
	_ =	strace $0x9000004D  }
0x69: {  	s0 =	sadd.s32 @!p0 $0x100000, s1;
	[bflag:$0x2] =	sbarrier.arrive $0xFFFF  }
0x6a: {  	[sflag:s0] =	ssyncadd.tile.s32 @!p0 $0x1;
	_ =	shalt  }
.Lfunc_end2:
_tile_overlayer_lowered:
.L_overlay_start_2:
0x6b: {  	(tag) =	ssettag $0x2  }
0x6c: {  	s0 =	rddreg [dreg:$0x0];
	s2 =	stileid.u32  }
0x6d: {  	s1 =	rddreg [dreg:$0x1];
	p0 =	sne.s32 s2, $0x0  }
0x6e: {  	s3 =	rddreg [dreg:$0x2];
	[bflag:$0x3] =	sbarrier.arrive $0xFFFF;
	s2 =	simm.s32 @!p0 $0x1C03  }
0x6f: {  	[timem:s3], [sflag:s2] =	dma.local @!p0 [hbm:s0], s1  }
0x70: {  	s0 =	simm.s32 @!p0 $0x3  }
0x71: {  	_ =	swait.ge @!p0 [sflag:s0], s1  }
0x72: {  	s1 =	ssub.s32 @!p0 $0x0, s1;
	[sflag:s0] =	ssyncset.done @!p0 $0x0  }
0x73: {  	[sflag:s0] =	ssyncadd.s32 @!p0 s1  }
0x74: {  	[bflag:$0x3] =	sbarrier.arrive $0xFFFF  }
0x75: {  	_ =	shalt  }

</sc_bundles>
